<compile_context>
chip_gen: v7x
topology: tpu7x:2x2x1
jax: 0.10.2.dev20260603
libtpu: 0.0.44.dev20260713+nightly
codegen_flags: <defaults>
</compile_context>

<pallas_src>
import functools

import jax
import jax.numpy as jnp
from jax import lax
from jax.experimental import pallas as pl
from jax.experimental.pallas import tpu as pltpu
from jax.experimental.pallas import tpu_sc as plsc

NC = 2
NS = 16
L = 16
NW = NC * NS
ROWS = 128
COLS = 32768
SC_ROWS = 48
TC_ROWS = ROWS - SC_ROWS
TCRB = 16
SLAB = SC_ROWS * COLS // NW
CH = 8192
NCHUNK = SLAB // CH
VPC = CH // L
U = 4
BIG = 2**31 - 1
NEG = float("-inf")

_MESH = plsc.VectorSubcoreMesh(core_axis_name="c", subcore_axis_name="s",
                               num_cores=NC, num_subcores=NS)

_GDN = lax.GatherDimensionNumbers(
    offset_dims=(), collapsed_slice_dims=(0,), start_index_map=(0,))


def _shuffle(v, idx):
    return lax.gather(v, idx[:, None], _GDN, (1,),
                      mode=lax.GatherScatterMode.PROMISE_IN_BOUNDS)


@functools.partial(
    pl.kernel,
    out_type=(
        jax.ShapeDtypeStruct((NW, L), jnp.float32),
        jax.ShapeDtypeStruct((NW, L), jnp.int32),
    ),
    mesh=_MESH,
    scratch_types=[
        pltpu.VMEM((CH,), jnp.float32),
        pltpu.VMEM((CH,), jnp.float32),
        pltpu.VMEM((CH,), jnp.float32),
        pltpu.VMEM((CH,), jnp.float32),
        pltpu.VMEM((CH,), jnp.float32),
        pltpu.VMEM((CH,), jnp.float32),
        pltpu.VMEM((CH,), jnp.float32),
        pltpu.VMEM((CH,), jnp.float32),
        pltpu.VMEM((L,), jnp.float32),
        pltpu.VMEM((L,), jnp.int32),
        pltpu.SemaphoreType.DMA,
        pltpu.SemaphoreType.DMA,
        pltpu.SemaphoreType.DMA,
        pltpu.SemaphoreType.DMA,
        pltpu.SemaphoreType.DMA,
        pltpu.SemaphoreType.DMA,
        pltpu.SemaphoreType.DMA,
        pltpu.SemaphoreType.DMA,
    ],
)
def _sc_scan(x_hbm, vals_hbm, idxs_hbm, buf0, buf1, buf2, buf3,
             buf4, buf5, buf6, buf7, stage_v, stage_i,
             sem0, sem1, sem2, sem3, sem4, sem5, sem6, sem7):
    wid = lax.axis_index("s") * NC + lax.axis_index("c")
    base = wid * SLAB
    bufs = (buf0, buf1, buf2, buf3, buf4, buf5, buf6, buf7)
    sems = (sem0, sem1, sem2, sem3, sem4, sem5, sem6, sem7)
    lane = lax.iota(jnp.int32, L)

    for c in range(NCHUNK):
        off = base + c * CH
        row = off // COLS
        col = pl.multiple_of(off % COLS, CH)
        pltpu.async_copy(x_hbm.at[row, pl.ds(col, CH)], bufs[c], sems[c])

    accs = tuple(jnp.full((L,), NEG, jnp.float32) for _ in range(U))
    poss = tuple(jnp.full((L,), 0, jnp.int32) for _ in range(U))
    for c in range(NCHUNK):
        pltpu.make_async_copy(x_hbm.at[0, pl.ds(0, CH)], bufs[c],
                              sems[c]).wait()
        buf = bufs[c]

        @plsc.parallel_loop(0, VPC, step=U, unroll=2, carry=(accs, poss))
        def res(i, carry, buf=buf, c=c):
            a, p = carry
            gvec = jnp.full((L,), i + c * VPC)
            na, np_ = [], []
            for u in range(U):
                v = buf[pl.ds((i + u) * L, L)]
                gt = v > a[u]
                na.append(jnp.where(gt, v, a[u]))
                np_.append(jnp.where(gt, gvec, p[u]))
            return (tuple(na), tuple(np_))

        accs, poss = res

    bv = accs[0]
    bi = base + (poss[0] + 0) * L + lane
    for u in range(1, U):
        fv = accs[u]
        fi = base + (poss[u] + u) * L + lane
        better = (fv > bv) | ((fv == bv) & (fi < bi))
        bv = jnp.where(better, fv, bv)
        bi = jnp.where(better, fi, bi)

    for sh in (8, 4, 2, 1):
        idx2 = lane ^ sh
        v2 = _shuffle(bv, idx2)
        i2 = _shuffle(bi, idx2)
        better = (v2 > bv) | ((v2 == bv) & (i2 < bi))
        bv = jnp.where(better, v2, bv)
        bi = jnp.where(better, i2, bi)

    stage_v[...] = bv
    stage_i[...] = bi
    pltpu.sync_copy(stage_v, vals_hbm.at[wid])
    pltpu.sync_copy(stage_i, idxs_hbm.at[wid])


def _tc_body(x_ref, val_ref, idx_ref, rmax_ref, ridx_ref):
    b = pl.program_id(0)

    @pl.when(b == 0)
    def _init():
        rmax_ref[0] = -jnp.inf
        ridx_ref[0] = jnp.int32(BIG)

    xb = x_ref[...]
    m = jnp.max(xb)

    @pl.when(m >= rmax_ref[0])
    def _update():
        rows = lax.broadcasted_iota(jnp.int32, (TCRB, COLS), 0)
        cols = lax.broadcasted_iota(jnp.int32, (TCRB, COLS), 1)
        flat = (rows + SC_ROWS + b * TCRB) * COLS + cols
        cand = jnp.min(jnp.where(xb == m, flat, jnp.int32(BIG)))
        old_m = rmax_ref[0]
        old_i = ridx_ref[0]
        better = (m > old_m) | (cand < old_i)
        ridx_ref[0] = jnp.where(better, cand, old_i)
        rmax_ref[0] = jnp.where(m > old_m, m, old_m)

    @pl.when(b == pl.num_programs(0) - 1)
    def _fin():
        val_ref[0] = rmax_ref[0]
        idx_ref[0] = ridx_ref[0]


def _merge_body(vals_ref, idxs_ref, tcv_ref, tci_ref, out_ref):
    v = vals_ref[...]
    ix = idxs_ref[...]
    m = jnp.max(v)
    cand = jnp.min(jnp.where(v == m, ix, jnp.int32(BIG)))
    tv = tcv_ref[0]
    ti = tci_ref[0]
    better_tc = (tv > m) | ((tv == m) & (ti < cand))
    out_ref[0] = jnp.where(better_tc, ti, cand)


def kernel(x):
    tcv, tci = pl.pallas_call(
        _tc_body,
        grid=(TC_ROWS // TCRB,),
        in_specs=[pl.BlockSpec((TCRB, COLS),
                               lambda b: (b + SC_ROWS // TCRB, 0))],
        out_specs=(
            pl.BlockSpec(memory_space=pltpu.SMEM),
            pl.BlockSpec(memory_space=pltpu.SMEM),
        ),
        out_shape=(
            jax.ShapeDtypeStruct((1,), jnp.float32),
            jax.ShapeDtypeStruct((1,), jnp.int32),
        ),
        scratch_shapes=[
            pltpu.SMEM((1,), jnp.float32),
            pltpu.SMEM((1,), jnp.int32),
        ],
    )(x)
    vals, idxs = _sc_scan(x)
    merged = pl.pallas_call(
        _merge_body,
        in_specs=[
            pl.BlockSpec((NW, L), lambda: (0, 0)),
            pl.BlockSpec((NW, L), lambda: (0, 0)),
            pl.BlockSpec(memory_space=pltpu.SMEM),
            pl.BlockSpec(memory_space=pltpu.SMEM),
        ],
        out_specs=pl.BlockSpec(memory_space=pltpu.SMEM),
        out_shape=jax.ShapeDtypeStruct((1,), jnp.int32),
    )(vals, idxs, tcv, tci)
    return merged[0].astype(jnp.int64)

# --- scband reference (transcript-rebuilt; emitter-appended) ---
"""Pipeline reference for scband-argmax-13280038880185 (READ-ONLY COPY).

The authoritative reference and input builder live on the scoring server;
editing this copy changes nothing except your own understanding.
"""

import jax, jax.numpy as jnp
import numpy as np


def setup_inputs(seed: int = 0) -> dict:
    key = jax.random.key(seed)
    x = jax.random.normal(key, (128, 32768), dtype=jnp.float32)
    return {"x": x}


def reference(x):
    # torch.argmax(x) with no dim: argmax over the flattened tensor,
    # returning a scalar int64 index.
    return jnp.argmax(x.reshape(-1)).astype(jnp.int64)

if __name__ == "__main__":
    import jax
    _d = setup_inputs()
    print(jax.jit(kernel)(*tuple(_d.values())))

</pallas_src>

<mosaic_0001>
#map = affine_map<(d0, d1) -> (0, 0)>
module attributes {stable_mosaic.version = 14 : i64} {
  func.func @_sc_scan(%arg0: i32, %arg1: i32, %arg2: memref<128x32768xf32, #tpu.memory_space<hbm>>, %arg3: memref<32x16xf32, #tpu.memory_space<hbm>>, %arg4: memref<32x16xi32, #tpu.memory_space<hbm>>, %arg5: memref<8192xf32, #tpu.memory_space<vmem>>, %arg6: memref<8192xf32, #tpu.memory_space<vmem>>, %arg7: memref<8192xf32, #tpu.memory_space<vmem>>, %arg8: memref<8192xf32, #tpu.memory_space<vmem>>, %arg9: memref<8192xf32, #tpu.memory_space<vmem>>, %arg10: memref<8192xf32, #tpu.memory_space<vmem>>, %arg11: memref<8192xf32, #tpu.memory_space<vmem>>, %arg12: memref<8192xf32, #tpu.memory_space<vmem>>, %arg13: memref<16xf32, #tpu.memory_space<vmem>>, %arg14: memref<16xi32, #tpu.memory_space<vmem>>, %arg15: memref<!tpu.dma_semaphore, #tpu.memory_space<semaphore_mem>>, %arg16: memref<!tpu.dma_semaphore, #tpu.memory_space<semaphore_mem>>, %arg17: memref<!tpu.dma_semaphore, #tpu.memory_space<semaphore_mem>>, %arg18: memref<!tpu.dma_semaphore, #tpu.memory_space<semaphore_mem>>, %arg19: memref<!tpu.dma_semaphore, #tpu.memory_space<semaphore_mem>>, %arg20: memref<!tpu.dma_semaphore, #tpu.memory_space<semaphore_mem>>, %arg21: memref<!tpu.dma_semaphore, #tpu.memory_space<semaphore_mem>>, %arg22: memref<!tpu.dma_semaphore, #tpu.memory_space<semaphore_mem>>) attributes {dimension_semantics = [#tpu.dimension_semantics<core_parallel>, #tpu.dimension_semantics<subcore_parallel>], iteration_bounds = array<i64: 2, 16>, scalar_prefetch = 0 : i64, scratch_operands = 18 : i64, tpu.core_type = #tpu.core_type<sc_vector_subcore>, window_params = [{transform_indices = #map}, {transform_indices = #map}, {transform_indices = #map}]} {
    %mul3A = arith.constant 2 : i32
    %mul3A_0 = arith.muli %arg1, %mul3A : i32
    %add3A = arith.addi %mul3A_0, %arg0 : i32
    %mul3A_1 = arith.constant 49152 : i32
    %mul3A_2 = arith.muli %add3A, %mul3A_1 : i32
    %iota3A = tpu.iota {dimensions = array<i32: 0>} : vector<16xi32>
    %add3A_3 = arith.constant 0 : i32
    %add3A_4 = arith.addi %mul3A_2, %add3A_3 : i32
    %jit3A = arith.constant 32768 : i32
    %div3A = arith.divsi %add3A_4, %jit3A : i32
    %sign3A = arith.constant 0 : i32
    %sign3A_5 = arith.cmpi sgt, %add3A_4, %sign3A : i32
    %sign3A_6 = arith.extui %sign3A_5 : i1 to i32
    %sign3A_7 = arith.constant 0 : i32
    %sign3A_8 = arith.cmpi slt, %add3A_4, %sign3A_7 : i32
    %sign3A_9 = arith.extui %sign3A_8 : i1 to i32
    %sign3A_10 = arith.subi %sign3A_6, %sign3A_9 : i32
    %sign3A_11 = arith.constant 0 : i32
    %sign3A_12 = arith.cmpi sgt, %jit3A, %sign3A_11 : i32
    %sign3A_13 = arith.extui %sign3A_12 : i1 to i32
    %sign3A_14 = arith.constant 0 : i32
    %sign3A_15 = arith.cmpi slt, %jit3A, %sign3A_14 : i32
    %sign3A_16 = arith.extui %sign3A_15 : i1 to i32
    %sign3A_17 = arith.subi %sign3A_13, %sign3A_16 : i32
    %ne3A = arith.cmpi ne, %sign3A_10, %sign3A_17 : i32
    %rem3A = arith.remsi %add3A_4, %jit3A : i32
    %ne3A_18 = arith.constant 0 : i32
    %ne3A_19 = arith.cmpi ne, %rem3A, %ne3A_18 : i32
    %and3A = arith.andi %ne3A, %ne3A_19 : i1
    %sub3A = arith.constant 1 : i32
    %sub3A_20 = arith.subi %div3A, %sub3A : i32
    %select_n3A = arith.select %and3A, %sub3A_20, %div3A : i32
    %jit3A_21 = arith.constant 32768 : i32
    %eq3A = arith.constant 0 : i32
    %eq3A_22 = arith.cmpi eq, %jit3A_21, %eq3A : i32
    %jit3A_23 = arith.constant 1 : i32
    %select_n3A_24 = arith.select %eq3A_22, %jit3A_23, %jit3A_21 : i32
    %rem3A_25 = arith.remsi %add3A_4, %select_n3A_24 : i32
    %ne3A_26 = arith.constant 0 : i32
    %ne3A_27 = arith.cmpi ne, %rem3A_25, %ne3A_26 : i32
    %lt3A = arith.constant 0 : i32
    %lt3A_28 = arith.cmpi slt, %rem3A_25, %lt3A : i32
    %lt3A_29 = arith.constant 0 : i32
    %lt3A_30 = arith.cmpi slt, %select_n3A_24, %lt3A_29 : i32
    %ne3A_31 = arith.xori %lt3A_28, %lt3A_30 : i1
    %and3A_32 = arith.andi %ne3A_31, %ne3A_27 : i1
    %add3A_33 = arith.addi %rem3A_25, %select_n3A_24 : i32
    %select_n3A_34 = arith.select %and3A_32, %add3A_33, %rem3A_25 : i32
    %multiple_of3A = tpu.assume_multiple %select_n3A_34, 8192 : i32
    %dma_start3A = tpu.memref_slice %arg2[%select_n3A, %multiple_of3A] : memref<128x32768xf32, #tpu.memory_space<hbm>> -> memref<1x8192xf32, #tpu.memory_space<hbm>>
    %dma_start3A_35 = tpu.memref_squeeze %dma_start3A : memref<1x8192xf32, #tpu.memory_space<hbm>> -> memref<8192xf32, #tpu.memory_space<hbm>>
    %dma_start3A_36 = tpu.memref_slice %arg2[%select_n3A, %multiple_of3A] : memref<128x32768xf32, #tpu.memory_space<hbm>> -> memref<1x8192xf32, #tpu.memory_space<hbm>>
    %dma_start3A_37 = tpu.memref_squeeze %dma_start3A_36 : memref<1x8192xf32, #tpu.memory_space<hbm>> -> memref<8192xf32, #tpu.memory_space<hbm>>
    tpu.enqueue_dma source(%dma_start3A_37 : memref<8192xf32, #tpu.memory_space<hbm>>) target(%arg5 : memref<8192xf32, #tpu.memory_space<vmem>>) target_semaphore(%arg15 : memref<!tpu.dma_semaphore, #tpu.memory_space<semaphore_mem>>)
    %add3A_38 = arith.constant 8192 : i32
    %add3A_39 = arith.addi %mul3A_2, %add3A_38 : i32
    %jit3A_40 = arith.constant 32768 : i32
    %div3A_41 = arith.divsi %add3A_39, %jit3A_40 : i32
    %sign3A_42 = arith.constant 0 : i32
    %sign3A_43 = arith.cmpi sgt, %add3A_39, %sign3A_42 : i32
    %sign3A_44 = arith.extui %sign3A_43 : i1 to i32
    %sign3A_45 = arith.constant 0 : i32
    %sign3A_46 = arith.cmpi slt, %add3A_39, %sign3A_45 : i32
    %sign3A_47 = arith.extui %sign3A_46 : i1 to i32
    %sign3A_48 = arith.subi %sign3A_44, %sign3A_47 : i32
    %sign3A_49 = arith.constant 0 : i32
    %sign3A_50 = arith.cmpi sgt, %jit3A_40, %sign3A_49 : i32
    %sign3A_51 = arith.extui %sign3A_50 : i1 to i32
    %sign3A_52 = arith.constant 0 : i32
    %sign3A_53 = arith.cmpi slt, %jit3A_40, %sign3A_52 : i32
    %sign3A_54 = arith.extui %sign3A_53 : i1 to i32
    %sign3A_55 = arith.subi %sign3A_51, %sign3A_54 : i32
    %ne3A_56 = arith.cmpi ne, %sign3A_48, %sign3A_55 : i32
    %rem3A_57 = arith.remsi %add3A_39, %jit3A_40 : i32
    %ne3A_58 = arith.constant 0 : i32
    %ne3A_59 = arith.cmpi ne, %rem3A_57, %ne3A_58 : i32
    %and3A_60 = arith.andi %ne3A_56, %ne3A_59 : i1
    %sub3A_61 = arith.constant 1 : i32
    %sub3A_62 = arith.subi %div3A_41, %sub3A_61 : i32
    %select_n3A_63 = arith.select %and3A_60, %sub3A_62, %div3A_41 : i32
    %jit3A_64 = arith.constant 32768 : i32
    %eq3A_65 = arith.constant 0 : i32
    %eq3A_66 = arith.cmpi eq, %jit3A_64, %eq3A_65 : i32
    %jit3A_67 = arith.constant 1 : i32
    %select_n3A_68 = arith.select %eq3A_66, %jit3A_67, %jit3A_64 : i32
    %rem3A_69 = arith.remsi %add3A_39, %select_n3A_68 : i32
    %ne3A_70 = arith.constant 0 : i32
    %ne3A_71 = arith.cmpi ne, %rem3A_69, %ne3A_70 : i32
    %lt3A_72 = arith.constant 0 : i32
    %lt3A_73 = arith.cmpi slt, %rem3A_69, %lt3A_72 : i32
    %lt3A_74 = arith.constant 0 : i32
    %lt3A_75 = arith.cmpi slt, %select_n3A_68, %lt3A_74 : i32
    %ne3A_76 = arith.xori %lt3A_73, %lt3A_75 : i1
    %and3A_77 = arith.andi %ne3A_76, %ne3A_71 : i1
    %add3A_78 = arith.addi %rem3A_69, %select_n3A_68 : i32
    %select_n3A_79 = arith.select %and3A_77, %add3A_78, %rem3A_69 : i32
    %multiple_of3A_80 = tpu.assume_multiple %select_n3A_79, 8192 : i32
    %dma_start3A_81 = tpu.memref_slice %arg2[%select_n3A_63, %multiple_of3A_80] : memref<128x32768xf32, #tpu.memory_space<hbm>> -> memref<1x8192xf32, #tpu.memory_space<hbm>>
    %dma_start3A_82 = tpu.memref_squeeze %dma_start3A_81 : memref<1x8192xf32, #tpu.memory_space<hbm>> -> memref<8192xf32, #tpu.memory_space<hbm>>
    %dma_start3A_83 = tpu.memref_slice %arg2[%select_n3A_63, %multiple_of3A_80] : memref<128x32768xf32, #tpu.memory_space<hbm>> -> memref<1x8192xf32, #tpu.memory_space<hbm>>
    %dma_start3A_84 = tpu.memref_squeeze %dma_start3A_83 : memref<1x8192xf32, #tpu.memory_space<hbm>> -> memref<8192xf32, #tpu.memory_space<hbm>>
    tpu.enqueue_dma source(%dma_start3A_84 : memref<8192xf32, #tpu.memory_space<hbm>>) target(%arg6 : memref<8192xf32, #tpu.memory_space<vmem>>) target_semaphore(%arg16 : memref<!tpu.dma_semaphore, #tpu.memory_space<semaphore_mem>>)
    %add3A_85 = arith.constant 16384 : i32
    %add3A_86 = arith.addi %mul3A_2, %add3A_85 : i32
    %jit3A_87 = arith.constant 32768 : i32
    %div3A_88 = arith.divsi %add3A_86, %jit3A_87 : i32
    %sign3A_89 = arith.constant 0 : i32
    %sign3A_90 = arith.cmpi sgt, %add3A_86, %sign3A_89 : i32
    %sign3A_91 = arith.extui %sign3A_90 : i1 to i32
    %sign3A_92 = arith.constant 0 : i32
    %sign3A_93 = arith.cmpi slt, %add3A_86, %sign3A_92 : i32
    %sign3A_94 = arith.extui %sign3A_93 : i1 to i32
    %sign3A_95 = arith.subi %sign3A_91, %sign3A_94 : i32
    %sign3A_96 = arith.constant 0 : i32
    %sign3A_97 = arith.cmpi sgt, %jit3A_87, %sign3A_96 : i32
    %sign3A_98 = arith.extui %sign3A_97 : i1 to i32
    %sign3A_99 = arith.constant 0 : i32
    %sign3A_100 = arith.cmpi slt, %jit3A_87, %sign3A_99 : i32
    %sign3A_101 = arith.extui %sign3A_100 : i1 to i32
    %sign3A_102 = arith.subi %sign3A_98, %sign3A_101 : i32
    %ne3A_103 = arith.cmpi ne, %sign3A_95, %sign3A_102 : i32
    %rem3A_104 = arith.remsi %add3A_86, %jit3A_87 : i32
    %ne3A_105 = arith.constant 0 : i32
    %ne3A_106 = arith.cmpi ne, %rem3A_104, %ne3A_105 : i32
    %and3A_107 = arith.andi %ne3A_103, %ne3A_106 : i1
    %sub3A_108 = arith.constant 1 : i32
    %sub3A_109 = arith.subi %div3A_88, %sub3A_108 : i32
    %select_n3A_110 = arith.select %and3A_107, %sub3A_109, %div3A_88 : i32
    %jit3A_111 = arith.constant 32768 : i32
    %eq3A_112 = arith.constant 0 : i32
    %eq3A_113 = arith.cmpi eq, %jit3A_111, %eq3A_112 : i32
    %jit3A_114 = arith.constant 1 : i32
    %select_n3A_115 = arith.select %eq3A_113, %jit3A_114, %jit3A_111 : i32
    %rem3A_116 = arith.remsi %add3A_86, %select_n3A_115 : i32
    %ne3A_117 = arith.constant 0 : i32
    %ne3A_118 = arith.cmpi ne, %rem3A_116, %ne3A_117 : i32
    %lt3A_119 = arith.constant 0 : i32
    %lt3A_120 = arith.cmpi slt, %rem3A_116, %lt3A_119 : i32
    %lt3A_121 = arith.constant 0 : i32
    %lt3A_122 = arith.cmpi slt, %select_n3A_115, %lt3A_121 : i32
    %ne3A_123 = arith.xori %lt3A_120, %lt3A_122 : i1
    %and3A_124 = arith.andi %ne3A_123, %ne3A_118 : i1
    %add3A_125 = arith.addi %rem3A_116, %select_n3A_115 : i32
    %select_n3A_126 = arith.select %and3A_124, %add3A_125, %rem3A_116 : i32
    %multiple_of3A_127 = tpu.assume_multiple %select_n3A_126, 8192 : i32
    %dma_start3A_128 = tpu.memref_slice %arg2[%select_n3A_110, %multiple_of3A_127] : memref<128x32768xf32, #tpu.memory_space<hbm>> -> memref<1x8192xf32, #tpu.memory_space<hbm>>
    %dma_start3A_129 = tpu.memref_squeeze %dma_start3A_128 : memref<1x8192xf32, #tpu.memory_space<hbm>> -> memref<8192xf32, #tpu.memory_space<hbm>>
    %dma_start3A_130 = tpu.memref_slice %arg2[%select_n3A_110, %multiple_of3A_127] : memref<128x32768xf32, #tpu.memory_space<hbm>> -> memref<1x8192xf32, #tpu.memory_space<hbm>>
    %dma_start3A_131 = tpu.memref_squeeze %dma_start3A_130 : memref<1x8192xf32, #tpu.memory_space<hbm>> -> memref<8192xf32, #tpu.memory_space<hbm>>
    tpu.enqueue_dma source(%dma_start3A_131 : memref<8192xf32, #tpu.memory_space<hbm>>) target(%arg7 : memref<8192xf32, #tpu.memory_space<vmem>>) target_semaphore(%arg17 : memref<!tpu.dma_semaphore, #tpu.memory_space<semaphore_mem>>)
    %add3A_132 = arith.constant 24576 : i32
    %add3A_133 = arith.addi %mul3A_2, %add3A_132 : i32
    %jit3A_134 = arith.constant 32768 : i32
    %div3A_135 = arith.divsi %add3A_133, %jit3A_134 : i32
    %sign3A_136 = arith.constant 0 : i32
    %sign3A_137 = arith.cmpi sgt, %add3A_133, %sign3A_136 : i32
    %sign3A_138 = arith.extui %sign3A_137 : i1 to i32
    %sign3A_139 = arith.constant 0 : i32
    %sign3A_140 = arith.cmpi slt, %add3A_133, %sign3A_139 : i32
    %sign3A_141 = arith.extui %sign3A_140 : i1 to i32
    %sign3A_142 = arith.subi %sign3A_138, %sign3A_141 : i32
    %sign3A_143 = arith.constant 0 : i32
    %sign3A_144 = arith.cmpi sgt, %jit3A_134, %sign3A_143 : i32
    %sign3A_145 = arith.extui %sign3A_144 : i1 to i32
    %sign3A_146 = arith.constant 0 : i32
    %sign3A_147 = arith.cmpi slt, %jit3A_134, %sign3A_146 : i32
    %sign3A_148 = arith.extui %sign3A_147 : i1 to i32
    %sign3A_149 = arith.subi %sign3A_145, %sign3A_148 : i32
    %ne3A_150 = arith.cmpi ne, %sign3A_142, %sign3A_149 : i32
    %rem3A_151 = arith.remsi %add3A_133, %jit3A_134 : i32
    %ne3A_152 = arith.constant 0 : i32
    %ne3A_153 = arith.cmpi ne, %rem3A_151, %ne3A_152 : i32
    %and3A_154 = arith.andi %ne3A_150, %ne3A_153 : i1
    %sub3A_155 = arith.constant 1 : i32
    %sub3A_156 = arith.subi %div3A_135, %sub3A_155 : i32
    %select_n3A_157 = arith.select %and3A_154, %sub3A_156, %div3A_135 : i32
    %jit3A_158 = arith.constant 32768 : i32
    %eq3A_159 = arith.constant 0 : i32
    %eq3A_160 = arith.cmpi eq, %jit3A_158, %eq3A_159 : i32
    %jit3A_161 = arith.constant 1 : i32
    %select_n3A_162 = arith.select %eq3A_160, %jit3A_161, %jit3A_158 : i32
    %rem3A_163 = arith.remsi %add3A_133, %select_n3A_162 : i32
    %ne3A_164 = arith.constant 0 : i32
    %ne3A_165 = arith.cmpi ne, %rem3A_163, %ne3A_164 : i32
    %lt3A_166 = arith.constant 0 : i32
    %lt3A_167 = arith.cmpi slt, %rem3A_163, %lt3A_166 : i32
    %lt3A_168 = arith.constant 0 : i32
    %lt3A_169 = arith.cmpi slt, %select_n3A_162, %lt3A_168 : i32
    %ne3A_170 = arith.xori %lt3A_167, %lt3A_169 : i1
    %and3A_171 = arith.andi %ne3A_170, %ne3A_165 : i1
    %add3A_172 = arith.addi %rem3A_163, %select_n3A_162 : i32
    %select_n3A_173 = arith.select %and3A_171, %add3A_172, %rem3A_163 : i32
    %multiple_of3A_174 = tpu.assume_multiple %select_n3A_173, 8192 : i32
    %dma_start3A_175 = tpu.memref_slice %arg2[%select_n3A_157, %multiple_of3A_174] : memref<128x32768xf32, #tpu.memory_space<hbm>> -> memref<1x8192xf32, #tpu.memory_space<hbm>>
    %dma_start3A_176 = tpu.memref_squeeze %dma_start3A_175 : memref<1x8192xf32, #tpu.memory_space<hbm>> -> memref<8192xf32, #tpu.memory_space<hbm>>
    %dma_start3A_177 = tpu.memref_slice %arg2[%select_n3A_157, %multiple_of3A_174] : memref<128x32768xf32, #tpu.memory_space<hbm>> -> memref<1x8192xf32, #tpu.memory_space<hbm>>
    %dma_start3A_178 = tpu.memref_squeeze %dma_start3A_177 : memref<1x8192xf32, #tpu.memory_space<hbm>> -> memref<8192xf32, #tpu.memory_space<hbm>>
    tpu.enqueue_dma source(%dma_start3A_178 : memref<8192xf32, #tpu.memory_space<hbm>>) target(%arg8 : memref<8192xf32, #tpu.memory_space<vmem>>) target_semaphore(%arg18 : memref<!tpu.dma_semaphore, #tpu.memory_space<semaphore_mem>>)
    %add3A_179 = arith.constant 32768 : i32
    %add3A_180 = arith.addi %mul3A_2, %add3A_179 : i32
    %jit3A_181 = arith.constant 32768 : i32
    %div3A_182 = arith.divsi %add3A_180, %jit3A_181 : i32
    %sign3A_183 = arith.constant 0 : i32
    %sign3A_184 = arith.cmpi sgt, %add3A_180, %sign3A_183 : i32
    %sign3A_185 = arith.extui %sign3A_184 : i1 to i32
    %sign3A_186 = arith.constant 0 : i32
    %sign3A_187 = arith.cmpi slt, %add3A_180, %sign3A_186 : i32
    %sign3A_188 = arith.extui %sign3A_187 : i1 to i32
    %sign3A_189 = arith.subi %sign3A_185, %sign3A_188 : i32
    %sign3A_190 = arith.constant 0 : i32
    %sign3A_191 = arith.cmpi sgt, %jit3A_181, %sign3A_190 : i32
    %sign3A_192 = arith.extui %sign3A_191 : i1 to i32
    %sign3A_193 = arith.constant 0 : i32
    %sign3A_194 = arith.cmpi slt, %jit3A_181, %sign3A_193 : i32
    %sign3A_195 = arith.extui %sign3A_194 : i1 to i32
    %sign3A_196 = arith.subi %sign3A_192, %sign3A_195 : i32
    %ne3A_197 = arith.cmpi ne, %sign3A_189, %sign3A_196 : i32
    %rem3A_198 = arith.remsi %add3A_180, %jit3A_181 : i32
    %ne3A_199 = arith.constant 0 : i32
    %ne3A_200 = arith.cmpi ne, %rem3A_198, %ne3A_199 : i32
    %and3A_201 = arith.andi %ne3A_197, %ne3A_200 : i1
    %sub3A_202 = arith.constant 1 : i32
    %sub3A_203 = arith.subi %div3A_182, %sub3A_202 : i32
    %select_n3A_204 = arith.select %and3A_201, %sub3A_203, %div3A_182 : i32
    %jit3A_205 = arith.constant 32768 : i32
    %eq3A_206 = arith.constant 0 : i32
    %eq3A_207 = arith.cmpi eq, %jit3A_205, %eq3A_206 : i32
    %jit3A_208 = arith.constant 1 : i32
    %select_n3A_209 = arith.select %eq3A_207, %jit3A_208, %jit3A_205 : i32
    %rem3A_210 = arith.remsi %add3A_180, %select_n3A_209 : i32
    %ne3A_211 = arith.constant 0 : i32
    %ne3A_212 = arith.cmpi ne, %rem3A_210, %ne3A_211 : i32
    %lt3A_213 = arith.constant 0 : i32
    %lt3A_214 = arith.cmpi slt, %rem3A_210, %lt3A_213 : i32
    %lt3A_215 = arith.constant 0 : i32
    %lt3A_216 = arith.cmpi slt, %select_n3A_209, %lt3A_215 : i32
    %ne3A_217 = arith.xori %lt3A_214, %lt3A_216 : i1
    %and3A_218 = arith.andi %ne3A_217, %ne3A_212 : i1
    %add3A_219 = arith.addi %rem3A_210, %select_n3A_209 : i32
    %select_n3A_220 = arith.select %and3A_218, %add3A_219, %rem3A_210 : i32
    %multiple_of3A_221 = tpu.assume_multiple %select_n3A_220, 8192 : i32
    %dma_start3A_222 = tpu.memref_slice %arg2[%select_n3A_204, %multiple_of3A_221] : memref<128x32768xf32, #tpu.memory_space<hbm>> -> memref<1x8192xf32, #tpu.memory_space<hbm>>
    %dma_start3A_223 = tpu.memref_squeeze %dma_start3A_222 : memref<1x8192xf32, #tpu.memory_space<hbm>> -> memref<8192xf32, #tpu.memory_space<hbm>>
    %dma_start3A_224 = tpu.memref_slice %arg2[%select_n3A_204, %multiple_of3A_221] : memref<128x32768xf32, #tpu.memory_space<hbm>> -> memref<1x8192xf32, #tpu.memory_space<hbm>>
    %dma_start3A_225 = tpu.memref_squeeze %dma_start3A_224 : memref<1x8192xf32, #tpu.memory_space<hbm>> -> memref<8192xf32, #tpu.memory_space<hbm>>
    tpu.enqueue_dma source(%dma_start3A_225 : memref<8192xf32, #tpu.memory_space<hbm>>) target(%arg9 : memref<8192xf32, #tpu.memory_space<vmem>>) target_semaphore(%arg19 : memref<!tpu.dma_semaphore, #tpu.memory_space<semaphore_mem>>)
    %add3A_226 = arith.constant 40960 : i32
    %add3A_227 = arith.addi %mul3A_2, %add3A_226 : i32
    %jit3A_228 = arith.constant 32768 : i32
    %div3A_229 = arith.divsi %add3A_227, %jit3A_228 : i32
    %sign3A_230 = arith.constant 0 : i32
    %sign3A_231 = arith.cmpi sgt, %add3A_227, %sign3A_230 : i32
    %sign3A_232 = arith.extui %sign3A_231 : i1 to i32
    %sign3A_233 = arith.constant 0 : i32
    %sign3A_234 = arith.cmpi slt, %add3A_227, %sign3A_233 : i32
    %sign3A_235 = arith.extui %sign3A_234 : i1 to i32
    %sign3A_236 = arith.subi %sign3A_232, %sign3A_235 : i32
    %sign3A_237 = arith.constant 0 : i32
    %sign3A_238 = arith.cmpi sgt, %jit3A_228, %sign3A_237 : i32
    %sign3A_239 = arith.extui %sign3A_238 : i1 to i32
    %sign3A_240 = arith.constant 0 : i32
    %sign3A_241 = arith.cmpi slt, %jit3A_228, %sign3A_240 : i32
    %sign3A_242 = arith.extui %sign3A_241 : i1 to i32
    %sign3A_243 = arith.subi %sign3A_239, %sign3A_242 : i32
    %ne3A_244 = arith.cmpi ne, %sign3A_236, %sign3A_243 : i32
    %rem3A_245 = arith.remsi %add3A_227, %jit3A_228 : i32
    %ne3A_246 = arith.constant 0 : i32
    %ne3A_247 = arith.cmpi ne, %rem3A_245, %ne3A_246 : i32
    %and3A_248 = arith.andi %ne3A_244, %ne3A_247 : i1
    %sub3A_249 = arith.constant 1 : i32
    %sub3A_250 = arith.subi %div3A_229, %sub3A_249 : i32
    %select_n3A_251 = arith.select %and3A_248, %sub3A_250, %div3A_229 : i32
    %jit3A_252 = arith.constant 32768 : i32
    %eq3A_253 = arith.constant 0 : i32
    %eq3A_254 = arith.cmpi eq, %jit3A_252, %eq3A_253 : i32
    %jit3A_255 = arith.constant 1 : i32
    %select_n3A_256 = arith.select %eq3A_254, %jit3A_255, %jit3A_252 : i32
    %rem3A_257 = arith.remsi %add3A_227, %select_n3A_256 : i32
    %ne3A_258 = arith.constant 0 : i32
    %ne3A_259 = arith.cmpi ne, %rem3A_257, %ne3A_258 : i32
    %lt3A_260 = arith.constant 0 : i32
    %lt3A_261 = arith.cmpi slt, %rem3A_257, %lt3A_260 : i32
    %lt3A_262 = arith.constant 0 : i32
    %lt3A_263 = arith.cmpi slt, %select_n3A_256, %lt3A_262 : i32
    %ne3A_264 = arith.xori %lt3A_261, %lt3A_263 : i1
    %and3A_265 = arith.andi %ne3A_264, %ne3A_259 : i1
    %add3A_266 = arith.addi %rem3A_257, %select_n3A_256 : i32
    %select_n3A_267 = arith.select %and3A_265, %add3A_266, %rem3A_257 : i32
    %multiple_of3A_268 = tpu.assume_multiple %select_n3A_267, 8192 : i32
    %dma_start3A_269 = tpu.memref_slice %arg2[%select_n3A_251, %multiple_of3A_268] : memref<128x32768xf32, #tpu.memory_space<hbm>> -> memref<1x8192xf32, #tpu.memory_space<hbm>>
    %dma_start3A_270 = tpu.memref_squeeze %dma_start3A_269 : memref<1x8192xf32, #tpu.memory_space<hbm>> -> memref<8192xf32, #tpu.memory_space<hbm>>
    %dma_start3A_271 = tpu.memref_slice %arg2[%select_n3A_251, %multiple_of3A_268] : memref<128x32768xf32, #tpu.memory_space<hbm>> -> memref<1x8192xf32, #tpu.memory_space<hbm>>
    %dma_start3A_272 = tpu.memref_squeeze %dma_start3A_271 : memref<1x8192xf32, #tpu.memory_space<hbm>> -> memref<8192xf32, #tpu.memory_space<hbm>>
    tpu.enqueue_dma source(%dma_start3A_272 : memref<8192xf32, #tpu.memory_space<hbm>>) target(%arg10 : memref<8192xf32, #tpu.memory_space<vmem>>) target_semaphore(%arg20 : memref<!tpu.dma_semaphore, #tpu.memory_space<semaphore_mem>>)
    %broadcast_in_dim3A = arith.constant 0xFF800000 : f32
    %broadcast_in_dim3A_273 = vector.broadcast %broadcast_in_dim3A : f32 to vector<16xf32>
    %broadcast_in_dim3A_274 = arith.constant 0xFF800000 : f32
    %broadcast_in_dim3A_275 = vector.broadcast %broadcast_in_dim3A_274 : f32 to vector<16xf32>
    %broadcast_in_dim3A_276 = arith.constant 0xFF800000 : f32
    %broadcast_in_dim3A_277 = vector.broadcast %broadcast_in_dim3A_276 : f32 to vector<16xf32>
    %broadcast_in_dim3A_278 = arith.constant 0xFF800000 : f32
    %broadcast_in_dim3A_279 = vector.broadcast %broadcast_in_dim3A_278 : f32 to vector<16xf32>
    %broadcast_in_dim3A_280 = arith.constant 0 : i32
    %broadcast_in_dim3A_281 = vector.broadcast %broadcast_in_dim3A_280 : i32 to vector<16xi32>
    %broadcast_in_dim3A_282 = arith.constant 0 : i32
    %broadcast_in_dim3A_283 = vector.broadcast %broadcast_in_dim3A_282 : i32 to vector<16xi32>
    %broadcast_in_dim3A_284 = arith.constant 0 : i32
    %broadcast_in_dim3A_285 = vector.broadcast %broadcast_in_dim3A_284 : i32 to vector<16xi32>
    %broadcast_in_dim3A_286 = arith.constant 0 : i32
    %broadcast_in_dim3A_287 = vector.broadcast %broadcast_in_dim3A_286 : i32 to vector<16xi32>
    %dma_wait3A = arith.constant 0 : i32
    %dma_wait3A_288 = arith.constant 0 : i32
    %dma_wait3A_289 = tpu.memref_slice %arg2[%dma_wait3A, %dma_wait3A_288] : memref<128x32768xf32, #tpu.memory_space<hbm>> -> memref<1x8192xf32, #tpu.memory_space<hbm>>
    %dma_wait3A_290 = tpu.memref_squeeze %dma_wait3A_289 : memref<1x8192xf32, #tpu.memory_space<hbm>> -> memref<8192xf32, #tpu.memory_space<hbm>>
    %dma_wait3A_291 = arith.constant 0 : i32
    %dma_wait3A_292 = tpu.memref_slice %arg2[%dma_wait3A, %dma_wait3A_291] : memref<128x32768xf32, #tpu.memory_space<hbm>> -> memref<1x8192xf32, #tpu.memory_space<hbm>>
    %dma_wait3A_293 = tpu.memref_squeeze %dma_wait3A_292 : memref<1x8192xf32, #tpu.memory_space<hbm>> -> memref<8192xf32, #tpu.memory_space<hbm>>
    tpu.wait_dma2 semaphore(%arg15 : memref<!tpu.dma_semaphore, #tpu.memory_space<semaphore_mem>>) src(%dma_wait3A_293 : memref<8192xf32, #tpu.memory_space<hbm>>) dst(%arg5 : memref<8192xf32, #tpu.memory_space<vmem>>)
    %parallel_loop3A = arith.constant 0 : i32
    %parallel_loop3A_294 = arith.constant 512 : i32
    %parallel_loop3A_295 = arith.constant 4 : i32
    %parallel_loop3A_296:8 = scf.for %parallel_loop3A_476 = %parallel_loop3A to %parallel_loop3A_294 step %parallel_loop3A_295 iter_args(%parallel_loop3A_477 = %broadcast_in_dim3A_273, %parallel_loop3A_478 = %broadcast_in_dim3A_275, %parallel_loop3A_479 = %broadcast_in_dim3A_277, %parallel_loop3A_480 = %broadcast_in_dim3A_279, %parallel_loop3A_481 = %broadcast_in_dim3A_281, %parallel_loop3A_482 = %broadcast_in_dim3A_283, %parallel_loop3A_483 = %broadcast_in_dim3A_285, %parallel_loop3A_484 = %broadcast_in_dim3A_287) -> (vector<16xf32>, vector<16xf32>, vector<16xf32>, vector<16xf32>, vector<16xi32>, vector<16xi32>, vector<16xi32>, vector<16xi32>)  : i32 {
      %parallel_loop3A_485 = arith.constant 0 : i32
      %parallel_loop3A_486 = arith.addi %parallel_loop3A_476, %parallel_loop3A_485 : i32
      %parallel_loop3A_487 = vector.broadcast %parallel_loop3A_486 : i32 to vector<16xi32>
      %parallel_loop3A_488 = arith.constant 0 : i32
      %parallel_loop3A_489 = arith.addi %parallel_loop3A_476, %parallel_loop3A_488 : i32
      %parallel_loop3A_490 = arith.constant 16 : i32
      %parallel_loop3A_491 = arith.muli %parallel_loop3A_489, %parallel_loop3A_490 : i32
      %parallel_loop3A_492 = arith.index_cast %parallel_loop3A_491 : i32 to index
      %parallel_loop3A_493 = tpu.vector_load %arg5[%parallel_loop3A_492] {strides = array<i32>} : memref<8192xf32, #tpu.memory_space<vmem>>, vector<16xf32>,
      %parallel_loop3A_494 = vector.shape_cast %parallel_loop3A_493 : vector<16xf32> to vector<16xf32>
      %parallel_loop3A_495 = arith.cmpf ogt, %parallel_loop3A_494, %parallel_loop3A_477 : vector<16xf32>
      %parallel_loop3A_496 = arith.select %parallel_loop3A_495, %parallel_loop3A_494, %parallel_loop3A_477 : vector<16xi1>, vector<16xf32>
      %parallel_loop3A_497 = arith.select %parallel_loop3A_495, %parallel_loop3A_487, %parallel_loop3A_481 : vector<16xi1>, vector<16xi32>
      %parallel_loop3A_498 = arith.constant 1 : i32
      %parallel_loop3A_499 = arith.addi %parallel_loop3A_476, %parallel_loop3A_498 : i32
      %parallel_loop3A_500 = arith.constant 16 : i32
      %parallel_loop3A_501 = arith.muli %parallel_loop3A_499, %parallel_loop3A_500 : i32
      %parallel_loop3A_502 = arith.index_cast %parallel_loop3A_501 : i32 to index
      %parallel_loop3A_503 = tpu.vector_load %arg5[%parallel_loop3A_502] {strides = array<i32>} : memref<8192xf32, #tpu.memory_space<vmem>>, vector<16xf32>,
      %parallel_loop3A_504 = vector.shape_cast %parallel_loop3A_503 : vector<16xf32> to vector<16xf32>
      %parallel_loop3A_505 = arith.cmpf ogt, %parallel_loop3A_504, %parallel_loop3A_478 : vector<16xf32>
      %parallel_loop3A_506 = arith.select %parallel_loop3A_505, %parallel_loop3A_504, %parallel_loop3A_478 : vector<16xi1>, vector<16xf32>
      %parallel_loop3A_507 = arith.select %parallel_loop3A_505, %parallel_loop3A_487, %parallel_loop3A_482 : vector<16xi1>, vector<16xi32>
      %parallel_loop3A_508 = arith.constant 2 : i32
      %parallel_loop3A_509 = arith.addi %parallel_loop3A_476, %parallel_loop3A_508 : i32
      %parallel_loop3A_510 = arith.constant 16 : i32
      %parallel_loop3A_511 = arith.muli %parallel_loop3A_509, %parallel_loop3A_510 : i32
      %parallel_loop3A_512 = arith.index_cast %parallel_loop3A_511 : i32 to index
      %parallel_loop3A_513 = tpu.vector_load %arg5[%parallel_loop3A_512] {strides = array<i32>} : memref<8192xf32, #tpu.memory_space<vmem>>, vector<16xf32>,
      %parallel_loop3A_514 = vector.shape_cast %parallel_loop3A_513 : vector<16xf32> to vector<16xf32>
      %parallel_loop3A_515 = arith.cmpf ogt, %parallel_loop3A_514, %parallel_loop3A_479 : vector<16xf32>
      %parallel_loop3A_516 = arith.select %parallel_loop3A_515, %parallel_loop3A_514, %parallel_loop3A_479 : vector<16xi1>, vector<16xf32>
      %parallel_loop3A_517 = arith.select %parallel_loop3A_515, %parallel_loop3A_487, %parallel_loop3A_483 : vector<16xi1>, vector<16xi32>
      %parallel_loop3A_518 = arith.constant 3 : i32
      %parallel_loop3A_519 = arith.addi %parallel_loop3A_476, %parallel_loop3A_518 : i32
      %parallel_loop3A_520 = arith.constant 16 : i32
      %parallel_loop3A_521 = arith.muli %parallel_loop3A_519, %parallel_loop3A_520 : i32
      %parallel_loop3A_522 = arith.index_cast %parallel_loop3A_521 : i32 to index
      %parallel_loop3A_523 = tpu.vector_load %arg5[%parallel_loop3A_522] {strides = array<i32>} : memref<8192xf32, #tpu.memory_space<vmem>>, vector<16xf32>,
      %parallel_loop3A_524 = vector.shape_cast %parallel_loop3A_523 : vector<16xf32> to vector<16xf32>
      %parallel_loop3A_525 = arith.cmpf ogt, %parallel_loop3A_524, %parallel_loop3A_480 : vector<16xf32>
      %parallel_loop3A_526 = arith.select %parallel_loop3A_525, %parallel_loop3A_524, %parallel_loop3A_480 : vector<16xi1>, vector<16xf32>
      %parallel_loop3A_527 = arith.select %parallel_loop3A_525, %parallel_loop3A_487, %parallel_loop3A_484 : vector<16xi1>, vector<16xi32>
      scf.yield %parallel_loop3A_496, %parallel_loop3A_506, %parallel_loop3A_516, %parallel_loop3A_526, %parallel_loop3A_497, %parallel_loop3A_507, %parallel_loop3A_517, %parallel_loop3A_527 : vector<16xf32>, vector<16xf32>, vector<16xf32>, vector<16xf32>, vector<16xi32>, vector<16xi32>, vector<16xi32>, vector<16xi32>
    } {sc.loop_unroll_factor = 2 : i64, sc.parallel_access}
    %dma_wait3A_297 = arith.constant 0 : i32
    %dma_wait3A_298 = arith.constant 0 : i32
    %dma_wait3A_299 = tpu.memref_slice %arg2[%dma_wait3A_297, %dma_wait3A_298] : memref<128x32768xf32, #tpu.memory_space<hbm>> -> memref<1x8192xf32, #tpu.memory_space<hbm>>
    %dma_wait3A_300 = tpu.memref_squeeze %dma_wait3A_299 : memref<1x8192xf32, #tpu.memory_space<hbm>> -> memref<8192xf32, #tpu.memory_space<hbm>>
    %dma_wait3A_301 = arith.constant 0 : i32
    %dma_wait3A_302 = tpu.memref_slice %arg2[%dma_wait3A_297, %dma_wait3A_301] : memref<128x32768xf32, #tpu.memory_space<hbm>> -> memref<1x8192xf32, #tpu.memory_space<hbm>>
    %dma_wait3A_303 = tpu.memref_squeeze %dma_wait3A_302 : memref<1x8192xf32, #tpu.memory_space<hbm>> -> memref<8192xf32, #tpu.memory_space<hbm>>
    tpu.wait_dma2 semaphore(%arg16 : memref<!tpu.dma_semaphore, #tpu.memory_space<semaphore_mem>>) src(%dma_wait3A_303 : memref<8192xf32, #tpu.memory_space<hbm>>) dst(%arg6 : memref<8192xf32, #tpu.memory_space<vmem>>)
    %parallel_loop3A_304 = arith.constant 0 : i32
    %parallel_loop3A_305 = arith.constant 512 : i32
    %parallel_loop3A_306 = arith.constant 4 : i32
    %parallel_loop3A_307:8 = scf.for %parallel_loop3A_476 = %parallel_loop3A_304 to %parallel_loop3A_305 step %parallel_loop3A_306 iter_args(%parallel_loop3A_477 = %parallel_loop3A_296#0, %parallel_loop3A_478 = %parallel_loop3A_296#1, %parallel_loop3A_479 = %parallel_loop3A_296#2, %parallel_loop3A_480 = %parallel_loop3A_296#3, %parallel_loop3A_481 = %parallel_loop3A_296#4, %parallel_loop3A_482 = %parallel_loop3A_296#5, %parallel_loop3A_483 = %parallel_loop3A_296#6, %parallel_loop3A_484 = %parallel_loop3A_296#7) -> (vector<16xf32>, vector<16xf32>, vector<16xf32>, vector<16xf32>, vector<16xi32>, vector<16xi32>, vector<16xi32>, vector<16xi32>)  : i32 {
      %parallel_loop3A_485 = arith.constant 512 : i32
      %parallel_loop3A_486 = arith.addi %parallel_loop3A_476, %parallel_loop3A_485 : i32
      %parallel_loop3A_487 = vector.broadcast %parallel_loop3A_486 : i32 to vector<16xi32>
      %parallel_loop3A_488 = arith.constant 0 : i32
      %parallel_loop3A_489 = arith.addi %parallel_loop3A_476, %parallel_loop3A_488 : i32
      %parallel_loop3A_490 = arith.constant 16 : i32
      %parallel_loop3A_491 = arith.muli %parallel_loop3A_489, %parallel_loop3A_490 : i32
      %parallel_loop3A_492 = arith.index_cast %parallel_loop3A_491 : i32 to index
      %parallel_loop3A_493 = tpu.vector_load %arg6[%parallel_loop3A_492] {strides = array<i32>} : memref<8192xf32, #tpu.memory_space<vmem>>, vector<16xf32>,
      %parallel_loop3A_494 = vector.shape_cast %parallel_loop3A_493 : vector<16xf32> to vector<16xf32>
      %parallel_loop3A_495 = arith.cmpf ogt, %parallel_loop3A_494, %parallel_loop3A_477 : vector<16xf32>
      %parallel_loop3A_496 = arith.select %parallel_loop3A_495, %parallel_loop3A_494, %parallel_loop3A_477 : vector<16xi1>, vector<16xf32>
      %parallel_loop3A_497 = arith.select %parallel_loop3A_495, %parallel_loop3A_487, %parallel_loop3A_481 : vector<16xi1>, vector<16xi32>
      %parallel_loop3A_498 = arith.constant 1 : i32
      %parallel_loop3A_499 = arith.addi %parallel_loop3A_476, %parallel_loop3A_498 : i32
      %parallel_loop3A_500 = arith.constant 16 : i32
      %parallel_loop3A_501 = arith.muli %parallel_loop3A_499, %parallel_loop3A_500 : i32
      %parallel_loop3A_502 = arith.index_cast %parallel_loop3A_501 : i32 to index
      %parallel_loop3A_503 = tpu.vector_load %arg6[%parallel_loop3A_502] {strides = array<i32>} : memref<8192xf32, #tpu.memory_space<vmem>>, vector<16xf32>,
      %parallel_loop3A_504 = vector.shape_cast %parallel_loop3A_503 : vector<16xf32> to vector<16xf32>
      %parallel_loop3A_505 = arith.cmpf ogt, %parallel_loop3A_504, %parallel_loop3A_478 : vector<16xf32>
      %parallel_loop3A_506 = arith.select %parallel_loop3A_505, %parallel_loop3A_504, %parallel_loop3A_478 : vector<16xi1>, vector<16xf32>
      %parallel_loop3A_507 = arith.select %parallel_loop3A_505, %parallel_loop3A_487, %parallel_loop3A_482 : vector<16xi1>, vector<16xi32>
      %parallel_loop3A_508 = arith.constant 2 : i32
      %parallel_loop3A_509 = arith.addi %parallel_loop3A_476, %parallel_loop3A_508 : i32
      %parallel_loop3A_510 = arith.constant 16 : i32
      %parallel_loop3A_511 = arith.muli %parallel_loop3A_509, %parallel_loop3A_510 : i32
      %parallel_loop3A_512 = arith.index_cast %parallel_loop3A_511 : i32 to index
      %parallel_loop3A_513 = tpu.vector_load %arg6[%parallel_loop3A_512] {strides = array<i32>} : memref<8192xf32, #tpu.memory_space<vmem>>, vector<16xf32>,
      %parallel_loop3A_514 = vector.shape_cast %parallel_loop3A_513 : vector<16xf32> to vector<16xf32>
      %parallel_loop3A_515 = arith.cmpf ogt, %parallel_loop3A_514, %parallel_loop3A_479 : vector<16xf32>
      %parallel_loop3A_516 = arith.select %parallel_loop3A_515, %parallel_loop3A_514, %parallel_loop3A_479 : vector<16xi1>, vector<16xf32>
      %parallel_loop3A_517 = arith.select %parallel_loop3A_515, %parallel_loop3A_487, %parallel_loop3A_483 : vector<16xi1>, vector<16xi32>
      %parallel_loop3A_518 = arith.constant 3 : i32
      %parallel_loop3A_519 = arith.addi %parallel_loop3A_476, %parallel_loop3A_518 : i32
      %parallel_loop3A_520 = arith.constant 16 : i32
      %parallel_loop3A_521 = arith.muli %parallel_loop3A_519, %parallel_loop3A_520 : i32
      %parallel_loop3A_522 = arith.index_cast %parallel_loop3A_521 : i32 to index
      %parallel_loop3A_523 = tpu.vector_load %arg6[%parallel_loop3A_522] {strides = array<i32>} : memref<8192xf32, #tpu.memory_space<vmem>>, vector<16xf32>,
      %parallel_loop3A_524 = vector.shape_cast %parallel_loop3A_523 : vector<16xf32> to vector<16xf32>
      %parallel_loop3A_525 = arith.cmpf ogt, %parallel_loop3A_524, %parallel_loop3A_480 : vector<16xf32>
      %parallel_loop3A_526 = arith.select %parallel_loop3A_525, %parallel_loop3A_524, %parallel_loop3A_480 : vector<16xi1>, vector<16xf32>
      %parallel_loop3A_527 = arith.select %parallel_loop3A_525, %parallel_loop3A_487, %parallel_loop3A_484 : vector<16xi1>, vector<16xi32>
      scf.yield %parallel_loop3A_496, %parallel_loop3A_506, %parallel_loop3A_516, %parallel_loop3A_526, %parallel_loop3A_497, %parallel_loop3A_507, %parallel_loop3A_517, %parallel_loop3A_527 : vector<16xf32>, vector<16xf32>, vector<16xf32>, vector<16xf32>, vector<16xi32>, vector<16xi32>, vector<16xi32>, vector<16xi32>
    } {sc.loop_unroll_factor = 2 : i64, sc.parallel_access}
    %dma_wait3A_308 = arith.constant 0 : i32
    %dma_wait3A_309 = arith.constant 0 : i32
    %dma_wait3A_310 = tpu.memref_slice %arg2[%dma_wait3A_308, %dma_wait3A_309] : memref<128x32768xf32, #tpu.memory_space<hbm>> -> memref<1x8192xf32, #tpu.memory_space<hbm>>
    %dma_wait3A_311 = tpu.memref_squeeze %dma_wait3A_310 : memref<1x8192xf32, #tpu.memory_space<hbm>> -> memref<8192xf32, #tpu.memory_space<hbm>>
    %dma_wait3A_312 = arith.constant 0 : i32
    %dma_wait3A_313 = tpu.memref_slice %arg2[%dma_wait3A_308, %dma_wait3A_312] : memref<128x32768xf32, #tpu.memory_space<hbm>> -> memref<1x8192xf32, #tpu.memory_space<hbm>>
    %dma_wait3A_314 = tpu.memref_squeeze %dma_wait3A_313 : memref<1x8192xf32, #tpu.memory_space<hbm>> -> memref<8192xf32, #tpu.memory_space<hbm>>
    tpu.wait_dma2 semaphore(%arg17 : memref<!tpu.dma_semaphore, #tpu.memory_space<semaphore_mem>>) src(%dma_wait3A_314 : memref<8192xf32, #tpu.memory_space<hbm>>) dst(%arg7 : memref<8192xf32, #tpu.memory_space<vmem>>)
    %parallel_loop3A_315 = arith.constant 0 : i32
    %parallel_loop3A_316 = arith.constant 512 : i32
    %parallel_loop3A_317 = arith.constant 4 : i32
    %parallel_loop3A_318:8 = scf.for %parallel_loop3A_476 = %parallel_loop3A_315 to %parallel_loop3A_316 step %parallel_loop3A_317 iter_args(%parallel_loop3A_477 = %parallel_loop3A_307#0, %parallel_loop3A_478 = %parallel_loop3A_307#1, %parallel_loop3A_479 = %parallel_loop3A_307#2, %parallel_loop3A_480 = %parallel_loop3A_307#3, %parallel_loop3A_481 = %parallel_loop3A_307#4, %parallel_loop3A_482 = %parallel_loop3A_307#5, %parallel_loop3A_483 = %parallel_loop3A_307#6, %parallel_loop3A_484 = %parallel_loop3A_307#7) -> (vector<16xf32>, vector<16xf32>, vector<16xf32>, vector<16xf32>, vector<16xi32>, vector<16xi32>, vector<16xi32>, vector<16xi32>)  : i32 {
      %parallel_loop3A_485 = arith.constant 1024 : i32
      %parallel_loop3A_486 = arith.addi %parallel_loop3A_476, %parallel_loop3A_485 : i32
      %parallel_loop3A_487 = vector.broadcast %parallel_loop3A_486 : i32 to vector<16xi32>
      %parallel_loop3A_488 = arith.constant 0 : i32
      %parallel_loop3A_489 = arith.addi %parallel_loop3A_476, %parallel_loop3A_488 : i32
      %parallel_loop3A_490 = arith.constant 16 : i32
      %parallel_loop3A_491 = arith.muli %parallel_loop3A_489, %parallel_loop3A_490 : i32
      %parallel_loop3A_492 = arith.index_cast %parallel_loop3A_491 : i32 to index
      %parallel_loop3A_493 = tpu.vector_load %arg7[%parallel_loop3A_492] {strides = array<i32>} : memref<8192xf32, #tpu.memory_space<vmem>>, vector<16xf32>,
      %parallel_loop3A_494 = vector.shape_cast %parallel_loop3A_493 : vector<16xf32> to vector<16xf32>
      %parallel_loop3A_495 = arith.cmpf ogt, %parallel_loop3A_494, %parallel_loop3A_477 : vector<16xf32>
      %parallel_loop3A_496 = arith.select %parallel_loop3A_495, %parallel_loop3A_494, %parallel_loop3A_477 : vector<16xi1>, vector<16xf32>
      %parallel_loop3A_497 = arith.select %parallel_loop3A_495, %parallel_loop3A_487, %parallel_loop3A_481 : vector<16xi1>, vector<16xi32>
      %parallel_loop3A_498 = arith.constant 1 : i32
      %parallel_loop3A_499 = arith.addi %parallel_loop3A_476, %parallel_loop3A_498 : i32
      %parallel_loop3A_500 = arith.constant 16 : i32
      %parallel_loop3A_501 = arith.muli %parallel_loop3A_499, %parallel_loop3A_500 : i32
      %parallel_loop3A_502 = arith.index_cast %parallel_loop3A_501 : i32 to index
      %parallel_loop3A_503 = tpu.vector_load %arg7[%parallel_loop3A_502] {strides = array<i32>} : memref<8192xf32, #tpu.memory_space<vmem>>, vector<16xf32>,
      %parallel_loop3A_504 = vector.shape_cast %parallel_loop3A_503 : vector<16xf32> to vector<16xf32>
      %parallel_loop3A_505 = arith.cmpf ogt, %parallel_loop3A_504, %parallel_loop3A_478 : vector<16xf32>
      %parallel_loop3A_506 = arith.select %parallel_loop3A_505, %parallel_loop3A_504, %parallel_loop3A_478 : vector<16xi1>, vector<16xf32>
      %parallel_loop3A_507 = arith.select %parallel_loop3A_505, %parallel_loop3A_487, %parallel_loop3A_482 : vector<16xi1>, vector<16xi32>
      %parallel_loop3A_508 = arith.constant 2 : i32
      %parallel_loop3A_509 = arith.addi %parallel_loop3A_476, %parallel_loop3A_508 : i32
      %parallel_loop3A_510 = arith.constant 16 : i32
      %parallel_loop3A_511 = arith.muli %parallel_loop3A_509, %parallel_loop3A_510 : i32
      %parallel_loop3A_512 = arith.index_cast %parallel_loop3A_511 : i32 to index
      %parallel_loop3A_513 = tpu.vector_load %arg7[%parallel_loop3A_512] {strides = array<i32>} : memref<8192xf32, #tpu.memory_space<vmem>>, vector<16xf32>,
      %parallel_loop3A_514 = vector.shape_cast %parallel_loop3A_513 : vector<16xf32> to vector<16xf32>
      %parallel_loop3A_515 = arith.cmpf ogt, %parallel_loop3A_514, %parallel_loop3A_479 : vector<16xf32>
      %parallel_loop3A_516 = arith.select %parallel_loop3A_515, %parallel_loop3A_514, %parallel_loop3A_479 : vector<16xi1>, vector<16xf32>
      %parallel_loop3A_517 = arith.select %parallel_loop3A_515, %parallel_loop3A_487, %parallel_loop3A_483 : vector<16xi1>, vector<16xi32>
      %parallel_loop3A_518 = arith.constant 3 : i32
      %parallel_loop3A_519 = arith.addi %parallel_loop3A_476, %parallel_loop3A_518 : i32
      %parallel_loop3A_520 = arith.constant 16 : i32
      %parallel_loop3A_521 = arith.muli %parallel_loop3A_519, %parallel_loop3A_520 : i32
      %parallel_loop3A_522 = arith.index_cast %parallel_loop3A_521 : i32 to index
      %parallel_loop3A_523 = tpu.vector_load %arg7[%parallel_loop3A_522] {strides = array<i32>} : memref<8192xf32, #tpu.memory_space<vmem>>, vector<16xf32>,
      %parallel_loop3A_524 = vector.shape_cast %parallel_loop3A_523 : vector<16xf32> to vector<16xf32>
      %parallel_loop3A_525 = arith.cmpf ogt, %parallel_loop3A_524, %parallel_loop3A_480 : vector<16xf32>
      %parallel_loop3A_526 = arith.select %parallel_loop3A_525, %parallel_loop3A_524, %parallel_loop3A_480 : vector<16xi1>, vector<16xf32>
      %parallel_loop3A_527 = arith.select %parallel_loop3A_525, %parallel_loop3A_487, %parallel_loop3A_484 : vector<16xi1>, vector<16xi32>
      scf.yield %parallel_loop3A_496, %parallel_loop3A_506, %parallel_loop3A_516, %parallel_loop3A_526, %parallel_loop3A_497, %parallel_loop3A_507, %parallel_loop3A_517, %parallel_loop3A_527 : vector<16xf32>, vector<16xf32>, vector<16xf32>, vector<16xf32>, vector<16xi32>, vector<16xi32>, vector<16xi32>, vector<16xi32>
    } {sc.loop_unroll_factor = 2 : i64, sc.parallel_access}
    %dma_wait3A_319 = arith.constant 0 : i32
    %dma_wait3A_320 = arith.constant 0 : i32
    %dma_wait3A_321 = tpu.memref_slice %arg2[%dma_wait3A_319, %dma_wait3A_320] : memref<128x32768xf32, #tpu.memory_space<hbm>> -> memref<1x8192xf32, #tpu.memory_space<hbm>>
    %dma_wait3A_322 = tpu.memref_squeeze %dma_wait3A_321 : memref<1x8192xf32, #tpu.memory_space<hbm>> -> memref<8192xf32, #tpu.memory_space<hbm>>
    %dma_wait3A_323 = arith.constant 0 : i32
    %dma_wait3A_324 = tpu.memref_slice %arg2[%dma_wait3A_319, %dma_wait3A_323] : memref<128x32768xf32, #tpu.memory_space<hbm>> -> memref<1x8192xf32, #tpu.memory_space<hbm>>
    %dma_wait3A_325 = tpu.memref_squeeze %dma_wait3A_324 : memref<1x8192xf32, #tpu.memory_space<hbm>> -> memref<8192xf32, #tpu.memory_space<hbm>>
    tpu.wait_dma2 semaphore(%arg18 : memref<!tpu.dma_semaphore, #tpu.memory_space<semaphore_mem>>) src(%dma_wait3A_325 : memref<8192xf32, #tpu.memory_space<hbm>>) dst(%arg8 : memref<8192xf32, #tpu.memory_space<vmem>>)
    %parallel_loop3A_326 = arith.constant 0 : i32
    %parallel_loop3A_327 = arith.constant 512 : i32
    %parallel_loop3A_328 = arith.constant 4 : i32
    %parallel_loop3A_329:8 = scf.for %parallel_loop3A_476 = %parallel_loop3A_326 to %parallel_loop3A_327 step %parallel_loop3A_328 iter_args(%parallel_loop3A_477 = %parallel_loop3A_318#0, %parallel_loop3A_478 = %parallel_loop3A_318#1, %parallel_loop3A_479 = %parallel_loop3A_318#2, %parallel_loop3A_480 = %parallel_loop3A_318#3, %parallel_loop3A_481 = %parallel_loop3A_318#4, %parallel_loop3A_482 = %parallel_loop3A_318#5, %parallel_loop3A_483 = %parallel_loop3A_318#6, %parallel_loop3A_484 = %parallel_loop3A_318#7) -> (vector<16xf32>, vector<16xf32>, vector<16xf32>, vector<16xf32>, vector<16xi32>, vector<16xi32>, vector<16xi32>, vector<16xi32>)  : i32 {
      %parallel_loop3A_485 = arith.constant 1536 : i32
      %parallel_loop3A_486 = arith.addi %parallel_loop3A_476, %parallel_loop3A_485 : i32
      %parallel_loop3A_487 = vector.broadcast %parallel_loop3A_486 : i32 to vector<16xi32>
      %parallel_loop3A_488 = arith.constant 0 : i32
      %parallel_loop3A_489 = arith.addi %parallel_loop3A_476, %parallel_loop3A_488 : i32
      %parallel_loop3A_490 = arith.constant 16 : i32
      %parallel_loop3A_491 = arith.muli %parallel_loop3A_489, %parallel_loop3A_490 : i32
      %parallel_loop3A_492 = arith.index_cast %parallel_loop3A_491 : i32 to index
      %parallel_loop3A_493 = tpu.vector_load %arg8[%parallel_loop3A_492] {strides = array<i32>} : memref<8192xf32, #tpu.memory_space<vmem>>, vector<16xf32>,
      %parallel_loop3A_494 = vector.shape_cast %parallel_loop3A_493 : vector<16xf32> to vector<16xf32>
      %parallel_loop3A_495 = arith.cmpf ogt, %parallel_loop3A_494, %parallel_loop3A_477 : vector<16xf32>
      %parallel_loop3A_496 = arith.select %parallel_loop3A_495, %parallel_loop3A_494, %parallel_loop3A_477 : vector<16xi1>, vector<16xf32>
      %parallel_loop3A_497 = arith.select %parallel_loop3A_495, %parallel_loop3A_487, %parallel_loop3A_481 : vector<16xi1>, vector<16xi32>
      %parallel_loop3A_498 = arith.constant 1 : i32
      %parallel_loop3A_499 = arith.addi %parallel_loop3A_476, %parallel_loop3A_498 : i32
      %parallel_loop3A_500 = arith.constant 16 : i32
      %parallel_loop3A_501 = arith.muli %parallel_loop3A_499, %parallel_loop3A_500 : i32
      %parallel_loop3A_502 = arith.index_cast %parallel_loop3A_501 : i32 to index
      %parallel_loop3A_503 = tpu.vector_load %arg8[%parallel_loop3A_502] {strides = array<i32>} : memref<8192xf32, #tpu.memory_space<vmem>>, vector<16xf32>,
      %parallel_loop3A_504 = vector.shape_cast %parallel_loop3A_503 : vector<16xf32> to vector<16xf32>
      %parallel_loop3A_505 = arith.cmpf ogt, %parallel_loop3A_504, %parallel_loop3A_478 : vector<16xf32>
      %parallel_loop3A_506 = arith.select %parallel_loop3A_505, %parallel_loop3A_504, %parallel_loop3A_478 : vector<16xi1>, vector<16xf32>
      %parallel_loop3A_507 = arith.select %parallel_loop3A_505, %parallel_loop3A_487, %parallel_loop3A_482 : vector<16xi1>, vector<16xi32>
      %parallel_loop3A_508 = arith.constant 2 : i32
      %parallel_loop3A_509 = arith.addi %parallel_loop3A_476, %parallel_loop3A_508 : i32
      %parallel_loop3A_510 = arith.constant 16 : i32
      %parallel_loop3A_511 = arith.muli %parallel_loop3A_509, %parallel_loop3A_510 : i32
      %parallel_loop3A_512 = arith.index_cast %parallel_loop3A_511 : i32 to index
      %parallel_loop3A_513 = tpu.vector_load %arg8[%parallel_loop3A_512] {strides = array<i32>} : memref<8192xf32, #tpu.memory_space<vmem>>, vector<16xf32>,
      %parallel_loop3A_514 = vector.shape_cast %parallel_loop3A_513 : vector<16xf32> to vector<16xf32>
      %parallel_loop3A_515 = arith.cmpf ogt, %parallel_loop3A_514, %parallel_loop3A_479 : vector<16xf32>
      %parallel_loop3A_516 = arith.select %parallel_loop3A_515, %parallel_loop3A_514, %parallel_loop3A_479 : vector<16xi1>, vector<16xf32>
      %parallel_loop3A_517 = arith.select %parallel_loop3A_515, %parallel_loop3A_487, %parallel_loop3A_483 : vector<16xi1>, vector<16xi32>
      %parallel_loop3A_518 = arith.constant 3 : i32
      %parallel_loop3A_519 = arith.addi %parallel_loop3A_476, %parallel_loop3A_518 : i32
      %parallel_loop3A_520 = arith.constant 16 : i32
      %parallel_loop3A_521 = arith.muli %parallel_loop3A_519, %parallel_loop3A_520 : i32
      %parallel_loop3A_522 = arith.index_cast %parallel_loop3A_521 : i32 to index
      %parallel_loop3A_523 = tpu.vector_load %arg8[%parallel_loop3A_522] {strides = array<i32>} : memref<8192xf32, #tpu.memory_space<vmem>>, vector<16xf32>,
      %parallel_loop3A_524 = vector.shape_cast %parallel_loop3A_523 : vector<16xf32> to vector<16xf32>
      %parallel_loop3A_525 = arith.cmpf ogt, %parallel_loop3A_524, %parallel_loop3A_480 : vector<16xf32>
      %parallel_loop3A_526 = arith.select %parallel_loop3A_525, %parallel_loop3A_524, %parallel_loop3A_480 : vector<16xi1>, vector<16xf32>
      %parallel_loop3A_527 = arith.select %parallel_loop3A_525, %parallel_loop3A_487, %parallel_loop3A_484 : vector<16xi1>, vector<16xi32>
      scf.yield %parallel_loop3A_496, %parallel_loop3A_506, %parallel_loop3A_516, %parallel_loop3A_526, %parallel_loop3A_497, %parallel_loop3A_507, %parallel_loop3A_517, %parallel_loop3A_527 : vector<16xf32>, vector<16xf32>, vector<16xf32>, vector<16xf32>, vector<16xi32>, vector<16xi32>, vector<16xi32>, vector<16xi32>
    } {sc.loop_unroll_factor = 2 : i64, sc.parallel_access}
    %dma_wait3A_330 = arith.constant 0 : i32
    %dma_wait3A_331 = arith.constant 0 : i32
    %dma_wait3A_332 = tpu.memref_slice %arg2[%dma_wait3A_330, %dma_wait3A_331] : memref<128x32768xf32, #tpu.memory_space<hbm>> -> memref<1x8192xf32, #tpu.memory_space<hbm>>
    %dma_wait3A_333 = tpu.memref_squeeze %dma_wait3A_332 : memref<1x8192xf32, #tpu.memory_space<hbm>> -> memref<8192xf32, #tpu.memory_space<hbm>>
    %dma_wait3A_334 = arith.constant 0 : i32
    %dma_wait3A_335 = tpu.memref_slice %arg2[%dma_wait3A_330, %dma_wait3A_334] : memref<128x32768xf32, #tpu.memory_space<hbm>> -> memref<1x8192xf32, #tpu.memory_space<hbm>>
    %dma_wait3A_336 = tpu.memref_squeeze %dma_wait3A_335 : memref<1x8192xf32, #tpu.memory_space<hbm>> -> memref<8192xf32, #tpu.memory_space<hbm>>
    tpu.wait_dma2 semaphore(%arg19 : memref<!tpu.dma_semaphore, #tpu.memory_space<semaphore_mem>>) src(%dma_wait3A_336 : memref<8192xf32, #tpu.memory_space<hbm>>) dst(%arg9 : memref<8192xf32, #tpu.memory_space<vmem>>)
    %parallel_loop3A_337 = arith.constant 0 : i32
    %parallel_loop3A_338 = arith.constant 512 : i32
    %parallel_loop3A_339 = arith.constant 4 : i32
    %parallel_loop3A_340:8 = scf.for %parallel_loop3A_476 = %parallel_loop3A_337 to %parallel_loop3A_338 step %parallel_loop3A_339 iter_args(%parallel_loop3A_477 = %parallel_loop3A_329#0, %parallel_loop3A_478 = %parallel_loop3A_329#1, %parallel_loop3A_479 = %parallel_loop3A_329#2, %parallel_loop3A_480 = %parallel_loop3A_329#3, %parallel_loop3A_481 = %parallel_loop3A_329#4, %parallel_loop3A_482 = %parallel_loop3A_329#5, %parallel_loop3A_483 = %parallel_loop3A_329#6, %parallel_loop3A_484 = %parallel_loop3A_329#7) -> (vector<16xf32>, vector<16xf32>, vector<16xf32>, vector<16xf32>, vector<16xi32>, vector<16xi32>, vector<16xi32>, vector<16xi32>)  : i32 {
      %parallel_loop3A_485 = arith.constant 2048 : i32
      %parallel_loop3A_486 = arith.addi %parallel_loop3A_476, %parallel_loop3A_485 : i32
      %parallel_loop3A_487 = vector.broadcast %parallel_loop3A_486 : i32 to vector<16xi32>
      %parallel_loop3A_488 = arith.constant 0 : i32
      %parallel_loop3A_489 = arith.addi %parallel_loop3A_476, %parallel_loop3A_488 : i32
      %parallel_loop3A_490 = arith.constant 16 : i32
      %parallel_loop3A_491 = arith.muli %parallel_loop3A_489, %parallel_loop3A_490 : i32
      %parallel_loop3A_492 = arith.index_cast %parallel_loop3A_491 : i32 to index
      %parallel_loop3A_493 = tpu.vector_load %arg9[%parallel_loop3A_492] {strides = array<i32>} : memref<8192xf32, #tpu.memory_space<vmem>>, vector<16xf32>,
      %parallel_loop3A_494 = vector.shape_cast %parallel_loop3A_493 : vector<16xf32> to vector<16xf32>
      %parallel_loop3A_495 = arith.cmpf ogt, %parallel_loop3A_494, %parallel_loop3A_477 : vector<16xf32>
      %parallel_loop3A_496 = arith.select %parallel_loop3A_495, %parallel_loop3A_494, %parallel_loop3A_477 : vector<16xi1>, vector<16xf32>
      %parallel_loop3A_497 = arith.select %parallel_loop3A_495, %parallel_loop3A_487, %parallel_loop3A_481 : vector<16xi1>, vector<16xi32>
      %parallel_loop3A_498 = arith.constant 1 : i32
      %parallel_loop3A_499 = arith.addi %parallel_loop3A_476, %parallel_loop3A_498 : i32
      %parallel_loop3A_500 = arith.constant 16 : i32
      %parallel_loop3A_501 = arith.muli %parallel_loop3A_499, %parallel_loop3A_500 : i32
      %parallel_loop3A_502 = arith.index_cast %parallel_loop3A_501 : i32 to index
      %parallel_loop3A_503 = tpu.vector_load %arg9[%parallel_loop3A_502] {strides = array<i32>} : memref<8192xf32, #tpu.memory_space<vmem>>, vector<16xf32>,
      %parallel_loop3A_504 = vector.shape_cast %parallel_loop3A_503 : vector<16xf32> to vector<16xf32>
      %parallel_loop3A_505 = arith.cmpf ogt, %parallel_loop3A_504, %parallel_loop3A_478 : vector<16xf32>
      %parallel_loop3A_506 = arith.select %parallel_loop3A_505, %parallel_loop3A_504, %parallel_loop3A_478 : vector<16xi1>, vector<16xf32>
      %parallel_loop3A_507 = arith.select %parallel_loop3A_505, %parallel_loop3A_487, %parallel_loop3A_482 : vector<16xi1>, vector<16xi32>
      %parallel_loop3A_508 = arith.constant 2 : i32
      %parallel_loop3A_509 = arith.addi %parallel_loop3A_476, %parallel_loop3A_508 : i32
      %parallel_loop3A_510 = arith.constant 16 : i32
      %parallel_loop3A_511 = arith.muli %parallel_loop3A_509, %parallel_loop3A_510 : i32
      %parallel_loop3A_512 = arith.index_cast %parallel_loop3A_511 : i32 to index
      %parallel_loop3A_513 = tpu.vector_load %arg9[%parallel_loop3A_512] {strides = array<i32>} : memref<8192xf32, #tpu.memory_space<vmem>>, vector<16xf32>,
      %parallel_loop3A_514 = vector.shape_cast %parallel_loop3A_513 : vector<16xf32> to vector<16xf32>
      %parallel_loop3A_515 = arith.cmpf ogt, %parallel_loop3A_514, %parallel_loop3A_479 : vector<16xf32>
      %parallel_loop3A_516 = arith.select %parallel_loop3A_515, %parallel_loop3A_514, %parallel_loop3A_479 : vector<16xi1>, vector<16xf32>
      %parallel_loop3A_517 = arith.select %parallel_loop3A_515, %parallel_loop3A_487, %parallel_loop3A_483 : vector<16xi1>, vector<16xi32>
      %parallel_loop3A_518 = arith.constant 3 : i32
      %parallel_loop3A_519 = arith.addi %parallel_loop3A_476, %parallel_loop3A_518 : i32
      %parallel_loop3A_520 = arith.constant 16 : i32
      %parallel_loop3A_521 = arith.muli %parallel_loop3A_519, %parallel_loop3A_520 : i32
      %parallel_loop3A_522 = arith.index_cast %parallel_loop3A_521 : i32 to index
      %parallel_loop3A_523 = tpu.vector_load %arg9[%parallel_loop3A_522] {strides = array<i32>} : memref<8192xf32, #tpu.memory_space<vmem>>, vector<16xf32>,
      %parallel_loop3A_524 = vector.shape_cast %parallel_loop3A_523 : vector<16xf32> to vector<16xf32>
      %parallel_loop3A_525 = arith.cmpf ogt, %parallel_loop3A_524, %parallel_loop3A_480 : vector<16xf32>
      %parallel_loop3A_526 = arith.select %parallel_loop3A_525, %parallel_loop3A_524, %parallel_loop3A_480 : vector<16xi1>, vector<16xf32>
      %parallel_loop3A_527 = arith.select %parallel_loop3A_525, %parallel_loop3A_487, %parallel_loop3A_484 : vector<16xi1>, vector<16xi32>
      scf.yield %parallel_loop3A_496, %parallel_loop3A_506, %parallel_loop3A_516, %parallel_loop3A_526, %parallel_loop3A_497, %parallel_loop3A_507, %parallel_loop3A_517, %parallel_loop3A_527 : vector<16xf32>, vector<16xf32>, vector<16xf32>, vector<16xf32>, vector<16xi32>, vector<16xi32>, vector<16xi32>, vector<16xi32>
    } {sc.loop_unroll_factor = 2 : i64, sc.parallel_access}
    %dma_wait3A_341 = arith.constant 0 : i32
    %dma_wait3A_342 = arith.constant 0 : i32
    %dma_wait3A_343 = tpu.memref_slice %arg2[%dma_wait3A_341, %dma_wait3A_342] : memref<128x32768xf32, #tpu.memory_space<hbm>> -> memref<1x8192xf32, #tpu.memory_space<hbm>>
    %dma_wait3A_344 = tpu.memref_squeeze %dma_wait3A_343 : memref<1x8192xf32, #tpu.memory_space<hbm>> -> memref<8192xf32, #tpu.memory_space<hbm>>
    %dma_wait3A_345 = arith.constant 0 : i32
    %dma_wait3A_346 = tpu.memref_slice %arg2[%dma_wait3A_341, %dma_wait3A_345] : memref<128x32768xf32, #tpu.memory_space<hbm>> -> memref<1x8192xf32, #tpu.memory_space<hbm>>
    %dma_wait3A_347 = tpu.memref_squeeze %dma_wait3A_346 : memref<1x8192xf32, #tpu.memory_space<hbm>> -> memref<8192xf32, #tpu.memory_space<hbm>>
    tpu.wait_dma2 semaphore(%arg20 : memref<!tpu.dma_semaphore, #tpu.memory_space<semaphore_mem>>) src(%dma_wait3A_347 : memref<8192xf32, #tpu.memory_space<hbm>>) dst(%arg10 : memref<8192xf32, #tpu.memory_space<vmem>>)
    %parallel_loop3A_348 = arith.constant 0 : i32
    %parallel_loop3A_349 = arith.constant 512 : i32
    %parallel_loop3A_350 = arith.constant 4 : i32
    %parallel_loop3A_351:8 = scf.for %parallel_loop3A_476 = %parallel_loop3A_348 to %parallel_loop3A_349 step %parallel_loop3A_350 iter_args(%parallel_loop3A_477 = %parallel_loop3A_340#0, %parallel_loop3A_478 = %parallel_loop3A_340#1, %parallel_loop3A_479 = %parallel_loop3A_340#2, %parallel_loop3A_480 = %parallel_loop3A_340#3, %parallel_loop3A_481 = %parallel_loop3A_340#4, %parallel_loop3A_482 = %parallel_loop3A_340#5, %parallel_loop3A_483 = %parallel_loop3A_340#6, %parallel_loop3A_484 = %parallel_loop3A_340#7) -> (vector<16xf32>, vector<16xf32>, vector<16xf32>, vector<16xf32>, vector<16xi32>, vector<16xi32>, vector<16xi32>, vector<16xi32>)  : i32 {
      %parallel_loop3A_485 = arith.constant 2560 : i32
      %parallel_loop3A_486 = arith.addi %parallel_loop3A_476, %parallel_loop3A_485 : i32
      %parallel_loop3A_487 = vector.broadcast %parallel_loop3A_486 : i32 to vector<16xi32>
      %parallel_loop3A_488 = arith.constant 0 : i32
      %parallel_loop3A_489 = arith.addi %parallel_loop3A_476, %parallel_loop3A_488 : i32
      %parallel_loop3A_490 = arith.constant 16 : i32
      %parallel_loop3A_491 = arith.muli %parallel_loop3A_489, %parallel_loop3A_490 : i32
      %parallel_loop3A_492 = arith.index_cast %parallel_loop3A_491 : i32 to index
      %parallel_loop3A_493 = tpu.vector_load %arg10[%parallel_loop3A_492] {strides = array<i32>} : memref<8192xf32, #tpu.memory_space<vmem>>, vector<16xf32>,
      %parallel_loop3A_494 = vector.shape_cast %parallel_loop3A_493 : vector<16xf32> to vector<16xf32>
      %parallel_loop3A_495 = arith.cmpf ogt, %parallel_loop3A_494, %parallel_loop3A_477 : vector<16xf32>
      %parallel_loop3A_496 = arith.select %parallel_loop3A_495, %parallel_loop3A_494, %parallel_loop3A_477 : vector<16xi1>, vector<16xf32>
      %parallel_loop3A_497 = arith.select %parallel_loop3A_495, %parallel_loop3A_487, %parallel_loop3A_481 : vector<16xi1>, vector<16xi32>
      %parallel_loop3A_498 = arith.constant 1 : i32
      %parallel_loop3A_499 = arith.addi %parallel_loop3A_476, %parallel_loop3A_498 : i32
      %parallel_loop3A_500 = arith.constant 16 : i32
      %parallel_loop3A_501 = arith.muli %parallel_loop3A_499, %parallel_loop3A_500 : i32
      %parallel_loop3A_502 = arith.index_cast %parallel_loop3A_501 : i32 to index
      %parallel_loop3A_503 = tpu.vector_load %arg10[%parallel_loop3A_502] {strides = array<i32>} : memref<8192xf32, #tpu.memory_space<vmem>>, vector<16xf32>,
      %parallel_loop3A_504 = vector.shape_cast %parallel_loop3A_503 : vector<16xf32> to vector<16xf32>
      %parallel_loop3A_505 = arith.cmpf ogt, %parallel_loop3A_504, %parallel_loop3A_478 : vector<16xf32>
      %parallel_loop3A_506 = arith.select %parallel_loop3A_505, %parallel_loop3A_504, %parallel_loop3A_478 : vector<16xi1>, vector<16xf32>
      %parallel_loop3A_507 = arith.select %parallel_loop3A_505, %parallel_loop3A_487, %parallel_loop3A_482 : vector<16xi1>, vector<16xi32>
      %parallel_loop3A_508 = arith.constant 2 : i32
      %parallel_loop3A_509 = arith.addi %parallel_loop3A_476, %parallel_loop3A_508 : i32
      %parallel_loop3A_510 = arith.constant 16 : i32
      %parallel_loop3A_511 = arith.muli %parallel_loop3A_509, %parallel_loop3A_510 : i32
      %parallel_loop3A_512 = arith.index_cast %parallel_loop3A_511 : i32 to index
      %parallel_loop3A_513 = tpu.vector_load %arg10[%parallel_loop3A_512] {strides = array<i32>} : memref<8192xf32, #tpu.memory_space<vmem>>, vector<16xf32>,
      %parallel_loop3A_514 = vector.shape_cast %parallel_loop3A_513 : vector<16xf32> to vector<16xf32>
      %parallel_loop3A_515 = arith.cmpf ogt, %parallel_loop3A_514, %parallel_loop3A_479 : vector<16xf32>
      %parallel_loop3A_516 = arith.select %parallel_loop3A_515, %parallel_loop3A_514, %parallel_loop3A_479 : vector<16xi1>, vector<16xf32>
      %parallel_loop3A_517 = arith.select %parallel_loop3A_515, %parallel_loop3A_487, %parallel_loop3A_483 : vector<16xi1>, vector<16xi32>
      %parallel_loop3A_518 = arith.constant 3 : i32
      %parallel_loop3A_519 = arith.addi %parallel_loop3A_476, %parallel_loop3A_518 : i32
      %parallel_loop3A_520 = arith.constant 16 : i32
      %parallel_loop3A_521 = arith.muli %parallel_loop3A_519, %parallel_loop3A_520 : i32
      %parallel_loop3A_522 = arith.index_cast %parallel_loop3A_521 : i32 to index
      %parallel_loop3A_523 = tpu.vector_load %arg10[%parallel_loop3A_522] {strides = array<i32>} : memref<8192xf32, #tpu.memory_space<vmem>>, vector<16xf32>,
      %parallel_loop3A_524 = vector.shape_cast %parallel_loop3A_523 : vector<16xf32> to vector<16xf32>
      %parallel_loop3A_525 = arith.cmpf ogt, %parallel_loop3A_524, %parallel_loop3A_480 : vector<16xf32>
      %parallel_loop3A_526 = arith.select %parallel_loop3A_525, %parallel_loop3A_524, %parallel_loop3A_480 : vector<16xi1>, vector<16xf32>
      %parallel_loop3A_527 = arith.select %parallel_loop3A_525, %parallel_loop3A_487, %parallel_loop3A_484 : vector<16xi1>, vector<16xi32>
      scf.yield %parallel_loop3A_496, %parallel_loop3A_506, %parallel_loop3A_516, %parallel_loop3A_526, %parallel_loop3A_497, %parallel_loop3A_507, %parallel_loop3A_517, %parallel_loop3A_527 : vector<16xf32>, vector<16xf32>, vector<16xf32>, vector<16xf32>, vector<16xi32>, vector<16xi32>, vector<16xi32>, vector<16xi32>
    } {sc.loop_unroll_factor = 2 : i64, sc.parallel_access}
    %add3A_352 = arith.constant 0 : i32
    %add3A_353 = vector.broadcast %add3A_352 : i32 to vector<16xi32>
    %add3A_354 = arith.addi %parallel_loop3A_351#4, %add3A_353 : vector<16xi32>
    %mul3A_355 = arith.constant 16 : i32
    %mul3A_356 = vector.broadcast %mul3A_355 : i32 to vector<16xi32>
    %mul3A_357 = arith.muli %add3A_354, %mul3A_356 : vector<16xi32>
    %add3A_358 = vector.broadcast %mul3A_2 : i32 to vector<16xi32>
    %add3A_359 = arith.addi %add3A_358, %mul3A_357 : vector<16xi32>
    %add3A_360 = arith.addi %add3A_359, %iota3A : vector<16xi32>
    %add3A_361 = arith.constant 1 : i32
    %add3A_362 = vector.broadcast %add3A_361 : i32 to vector<16xi32>
    %add3A_363 = arith.addi %parallel_loop3A_351#5, %add3A_362 : vector<16xi32>
    %mul3A_364 = arith.constant 16 : i32
    %mul3A_365 = vector.broadcast %mul3A_364 : i32 to vector<16xi32>
    %mul3A_366 = arith.muli %add3A_363, %mul3A_365 : vector<16xi32>
    %add3A_367 = vector.broadcast %mul3A_2 : i32 to vector<16xi32>
    %add3A_368 = arith.addi %add3A_367, %mul3A_366 : vector<16xi32>
    %add3A_369 = arith.addi %add3A_368, %iota3A : vector<16xi32>
    %gt3A = arith.cmpf ogt, %parallel_loop3A_351#1, %parallel_loop3A_351#0 : vector<16xf32>
    %eq3A_370 = arith.cmpf oeq, %parallel_loop3A_351#1, %parallel_loop3A_351#0 : vector<16xf32>
    %lt3A_371 = arith.cmpi slt, %add3A_369, %add3A_360 : vector<16xi32>
    %and3A_372 = arith.andi %eq3A_370, %lt3A_371 : vector<16xi1>
    %or3A = arith.ori %gt3A, %and3A_372 : vector<16xi1>
    %select_n3A_373 = arith.select %or3A, %parallel_loop3A_351#1, %parallel_loop3A_351#0 : vector<16xi1>, vector<16xf32>
    %select_n3A_374 = arith.select %or3A, %add3A_369, %add3A_360 : vector<16xi1>, vector<16xi32>
    %add3A_375 = arith.constant 2 : i32
    %add3A_376 = vector.broadcast %add3A_375 : i32 to vector<16xi32>
    %add3A_377 = arith.addi %parallel_loop3A_351#6, %add3A_376 : vector<16xi32>
    %mul3A_378 = arith.constant 16 : i32
    %mul3A_379 = vector.broadcast %mul3A_378 : i32 to vector<16xi32>
    %mul3A_380 = arith.muli %add3A_377, %mul3A_379 : vector<16xi32>
    %add3A_381 = vector.broadcast %mul3A_2 : i32 to vector<16xi32>
    %add3A_382 = arith.addi %add3A_381, %mul3A_380 : vector<16xi32>
    %add3A_383 = arith.addi %add3A_382, %iota3A : vector<16xi32>
    %gt3A_384 = arith.cmpf ogt, %parallel_loop3A_351#2, %select_n3A_373 : vector<16xf32>
    %eq3A_385 = arith.cmpf oeq, %parallel_loop3A_351#2, %select_n3A_373 : vector<16xf32>
    %lt3A_386 = arith.cmpi slt, %add3A_383, %select_n3A_374 : vector<16xi32>
    %and3A_387 = arith.andi %eq3A_385, %lt3A_386 : vector<16xi1>
    %or3A_388 = arith.ori %gt3A_384, %and3A_387 : vector<16xi1>
    %select_n3A_389 = arith.select %or3A_388, %parallel_loop3A_351#2, %select_n3A_373 : vector<16xi1>, vector<16xf32>
    %select_n3A_390 = arith.select %or3A_388, %add3A_383, %select_n3A_374 : vector<16xi1>, vector<16xi32>
    %add3A_391 = arith.constant 3 : i32
    %add3A_392 = vector.broadcast %add3A_391 : i32 to vector<16xi32>
    %add3A_393 = arith.addi %parallel_loop3A_351#7, %add3A_392 : vector<16xi32>
    %mul3A_394 = arith.constant 16 : i32
    %mul3A_395 = vector.broadcast %mul3A_394 : i32 to vector<16xi32>
    %mul3A_396 = arith.muli %add3A_393, %mul3A_395 : vector<16xi32>
    %add3A_397 = vector.broadcast %mul3A_2 : i32 to vector<16xi32>
    %add3A_398 = arith.addi %add3A_397, %mul3A_396 : vector<16xi32>
    %add3A_399 = arith.addi %add3A_398, %iota3A : vector<16xi32>
    %gt3A_400 = arith.cmpf ogt, %parallel_loop3A_351#3, %select_n3A_389 : vector<16xf32>
    %eq3A_401 = arith.cmpf oeq, %parallel_loop3A_351#3, %select_n3A_389 : vector<16xf32>
    %lt3A_402 = arith.cmpi slt, %add3A_399, %select_n3A_390 : vector<16xi32>
    %and3A_403 = arith.andi %eq3A_401, %lt3A_402 : vector<16xi1>
    %or3A_404 = arith.ori %gt3A_400, %and3A_403 : vector<16xi1>
    %select_n3A_405 = arith.select %or3A_404, %parallel_loop3A_351#3, %select_n3A_389 : vector<16xi1>, vector<16xf32>
    %select_n3A_406 = arith.select %or3A_404, %add3A_399, %select_n3A_390 : vector<16xi1>, vector<16xi32>
    %xor3A = arith.constant 8 : i32
    %xor3A_407 = vector.broadcast %xor3A : i32 to vector<16xi32>
    %xor3A_408 = arith.xori %iota3A, %xor3A_407 : vector<16xi32>
    %broadcast_in_dim3A_409 = vector.shape_cast %xor3A_408 : vector<16xi32> to vector<16x1xi32>
    %gather3A = vector.shape_cast %broadcast_in_dim3A_409 : vector<16x1xi32> to vector<16xi32>
    %gather3A_410 = tpu.dynamic_gather %select_n3A_405[%gather3A] in [0] : vector<16xf32>, vector<16xi32> -> vector<16xf32>
    %broadcast_in_dim3A_411 = vector.shape_cast %xor3A_408 : vector<16xi32> to vector<16x1xi32>
    %gather3A_412 = vector.shape_cast %broadcast_in_dim3A_411 : vector<16x1xi32> to vector<16xi32>
    %gather3A_413 = tpu.dynamic_gather %select_n3A_406[%gather3A_412] in [0] : vector<16xi32>, vector<16xi32> -> vector<16xi32>
    %gt3A_414 = arith.cmpf ogt, %gather3A_410, %select_n3A_405 : vector<16xf32>
    %eq3A_415 = arith.cmpf oeq, %gather3A_410, %select_n3A_405 : vector<16xf32>
    %lt3A_416 = arith.cmpi slt, %gather3A_413, %select_n3A_406 : vector<16xi32>
    %and3A_417 = arith.andi %eq3A_415, %lt3A_416 : vector<16xi1>
    %or3A_418 = arith.ori %gt3A_414, %and3A_417 : vector<16xi1>
    %select_n3A_419 = arith.select %or3A_418, %gather3A_410, %select_n3A_405 : vector<16xi1>, vector<16xf32>
    %select_n3A_420 = arith.select %or3A_418, %gather3A_413, %select_n3A_406 : vector<16xi1>, vector<16xi32>
    %xor3A_421 = arith.constant 4 : i32
    %xor3A_422 = vector.broadcast %xor3A_421 : i32 to vector<16xi32>
    %xor3A_423 = arith.xori %iota3A, %xor3A_422 : vector<16xi32>
    %broadcast_in_dim3A_424 = vector.shape_cast %xor3A_423 : vector<16xi32> to vector<16x1xi32>
    %gather3A_425 = vector.shape_cast %broadcast_in_dim3A_424 : vector<16x1xi32> to vector<16xi32>
    %gather3A_426 = tpu.dynamic_gather %select_n3A_419[%gather3A_425] in [0] : vector<16xf32>, vector<16xi32> -> vector<16xf32>
    %broadcast_in_dim3A_427 = vector.shape_cast %xor3A_423 : vector<16xi32> to vector<16x1xi32>
    %gather3A_428 = vector.shape_cast %broadcast_in_dim3A_427 : vector<16x1xi32> to vector<16xi32>
    %gather3A_429 = tpu.dynamic_gather %select_n3A_420[%gather3A_428] in [0] : vector<16xi32>, vector<16xi32> -> vector<16xi32>
    %gt3A_430 = arith.cmpf ogt, %gather3A_426, %select_n3A_419 : vector<16xf32>
    %eq3A_431 = arith.cmpf oeq, %gather3A_426, %select_n3A_419 : vector<16xf32>
    %lt3A_432 = arith.cmpi slt, %gather3A_429, %select_n3A_420 : vector<16xi32>
    %and3A_433 = arith.andi %eq3A_431, %lt3A_432 : vector<16xi1>
    %or3A_434 = arith.ori %gt3A_430, %and3A_433 : vector<16xi1>
    %select_n3A_435 = arith.select %or3A_434, %gather3A_426, %select_n3A_419 : vector<16xi1>, vector<16xf32>
    %select_n3A_436 = arith.select %or3A_434, %gather3A_429, %select_n3A_420 : vector<16xi1>, vector<16xi32>
    %xor3A_437 = arith.constant 2 : i32
    %xor3A_438 = vector.broadcast %xor3A_437 : i32 to vector<16xi32>
    %xor3A_439 = arith.xori %iota3A, %xor3A_438 : vector<16xi32>
    %broadcast_in_dim3A_440 = vector.shape_cast %xor3A_439 : vector<16xi32> to vector<16x1xi32>
    %gather3A_441 = vector.shape_cast %broadcast_in_dim3A_440 : vector<16x1xi32> to vector<16xi32>
    %gather3A_442 = tpu.dynamic_gather %select_n3A_435[%gather3A_441] in [0] : vector<16xf32>, vector<16xi32> -> vector<16xf32>
    %broadcast_in_dim3A_443 = vector.shape_cast %xor3A_439 : vector<16xi32> to vector<16x1xi32>
    %gather3A_444 = vector.shape_cast %broadcast_in_dim3A_443 : vector<16x1xi32> to vector<16xi32>
    %gather3A_445 = tpu.dynamic_gather %select_n3A_436[%gather3A_444] in [0] : vector<16xi32>, vector<16xi32> -> vector<16xi32>
    %gt3A_446 = arith.cmpf ogt, %gather3A_442, %select_n3A_435 : vector<16xf32>
    %eq3A_447 = arith.cmpf oeq, %gather3A_442, %select_n3A_435 : vector<16xf32>
    %lt3A_448 = arith.cmpi slt, %gather3A_445, %select_n3A_436 : vector<16xi32>
    %and3A_449 = arith.andi %eq3A_447, %lt3A_448 : vector<16xi1>
    %or3A_450 = arith.ori %gt3A_446, %and3A_449 : vector<16xi1>
    %select_n3A_451 = arith.select %or3A_450, %gather3A_442, %select_n3A_435 : vector<16xi1>, vector<16xf32>
    %select_n3A_452 = arith.select %or3A_450, %gather3A_445, %select_n3A_436 : vector<16xi1>, vector<16xi32>
    %xor3A_453 = arith.constant 1 : i32
    %xor3A_454 = vector.broadcast %xor3A_453 : i32 to vector<16xi32>
    %xor3A_455 = arith.xori %iota3A, %xor3A_454 : vector<16xi32>
    %broadcast_in_dim3A_456 = vector.shape_cast %xor3A_455 : vector<16xi32> to vector<16x1xi32>
    %gather3A_457 = vector.shape_cast %broadcast_in_dim3A_456 : vector<16x1xi32> to vector<16xi32>
    %gather3A_458 = tpu.dynamic_gather %select_n3A_451[%gather3A_457] in [0] : vector<16xf32>, vector<16xi32> -> vector<16xf32>
    %broadcast_in_dim3A_459 = vector.shape_cast %xor3A_455 : vector<16xi32> to vector<16x1xi32>
    %gather3A_460 = vector.shape_cast %broadcast_in_dim3A_459 : vector<16x1xi32> to vector<16xi32>
    %gather3A_461 = tpu.dynamic_gather %select_n3A_452[%gather3A_460] in [0] : vector<16xi32>, vector<16xi32> -> vector<16xi32>
    %gt3A_462 = arith.cmpf ogt, %gather3A_458, %select_n3A_451 : vector<16xf32>
    %eq3A_463 = arith.cmpf oeq, %gather3A_458, %select_n3A_451 : vector<16xf32>
    %lt3A_464 = arith.cmpi slt, %gather3A_461, %select_n3A_452 : vector<16xi32>
    %and3A_465 = arith.andi %eq3A_463, %lt3A_464 : vector<16xi1>
    %or3A_466 = arith.ori %gt3A_462, %and3A_465 : vector<16xi1>
    %select_n3A_467 = arith.select %or3A_466, %gather3A_458, %select_n3A_451 : vector<16xi1>, vector<16xf32>
    %select_n3A_468 = arith.select %or3A_466, %gather3A_461, %select_n3A_452 : vector<16xi1>, vector<16xi32>
    %swap3A = arith.constant 0 : index
    %swap3A_469 = tpu.vector_load %arg13[%swap3A] {strides = array<i32>} : memref<16xf32, #tpu.memory_space<vmem>>, vector<16xf32>,
    %swap3A_470 = vector.shape_cast %swap3A_469 : vector<16xf32> to vector<16xf32>
    %swap3A_471 = vector.shape_cast %select_n3A_467 : vector<16xf32> to vector<16xf32>
    tpu.vector_store %arg13[%swap3A], %swap3A_471 {strides = array<i32>} : memref<16xf32, #tpu.memory_space<vmem>>, vector<16xf32>,
    %swap3A_472 = arith.constant 0 : index
    %swap3A_473 = tpu.vector_load %arg14[%swap3A_472] {strides = array<i32>} : memref<16xi32, #tpu.memory_space<vmem>>, vector<16xi32>,
    %swap3A_474 = vector.shape_cast %swap3A_473 : vector<16xi32> to vector<16xi32>
    %swap3A_475 = vector.shape_cast %select_n3A_468 : vector<16xi32> to vector<16xi32>
    tpu.vector_store %arg14[%swap3A_472], %swap3A_475 {strides = array<i32>} : memref<16xi32, #tpu.memory_space<vmem>>, vector<16xi32>,
    "tpu.region"() ({
      %run_scoped3A = tpu.sem_alloc : memref<!tpu.dma_semaphore, #tpu.memory_space<semaphore_mem>>
      %dma_start3A_476 = arith.constant 0 : i32
      %dma_start3A_477 = tpu.memref_slice %arg3[%add3A, %dma_start3A_476] : memref<32x16xf32, #tpu.memory_space<hbm>> -> memref<1x16xf32, #tpu.memory_space<hbm>>
      %dma_start3A_478 = tpu.memref_squeeze %dma_start3A_477 : memref<1x16xf32, #tpu.memory_space<hbm>> -> memref<16xf32, #tpu.memory_space<hbm>>
      %dma_start3A_479 = arith.constant 0 : i32
      %dma_start3A_480 = tpu.memref_slice %arg3[%add3A, %dma_start3A_479] : memref<32x16xf32, #tpu.memory_space<hbm>> -> memref<1x16xf32, #tpu.memory_space<hbm>>
      %dma_start3A_481 = tpu.memref_squeeze %dma_start3A_480 : memref<1x16xf32, #tpu.memory_space<hbm>> -> memref<16xf32, #tpu.memory_space<hbm>>
      tpu.enqueue_dma source(%arg13 : memref<16xf32, #tpu.memory_space<vmem>>) target(%dma_start3A_481 : memref<16xf32, #tpu.memory_space<hbm>>) target_semaphore(%run_scoped3A : memref<!tpu.dma_semaphore, #tpu.memory_space<semaphore_mem>>)
      %dma_wait3A_482 = arith.constant 0 : i32
      %dma_wait3A_483 = tpu.memref_slice %arg3[%add3A, %dma_wait3A_482] : memref<32x16xf32, #tpu.memory_space<hbm>> -> memref<1x16xf32, #tpu.memory_space<hbm>>
      %dma_wait3A_484 = tpu.memref_squeeze %dma_wait3A_483 : memref<1x16xf32, #tpu.memory_space<hbm>> -> memref<16xf32, #tpu.memory_space<hbm>>
      %dma_wait3A_485 = arith.constant 0 : i32
      %dma_wait3A_486 = tpu.memref_slice %arg3[%add3A, %dma_wait3A_485] : memref<32x16xf32, #tpu.memory_space<hbm>> -> memref<1x16xf32, #tpu.memory_space<hbm>>
      %dma_wait3A_487 = tpu.memref_squeeze %dma_wait3A_486 : memref<1x16xf32, #tpu.memory_space<hbm>> -> memref<16xf32, #tpu.memory_space<hbm>>
      tpu.wait_dma2 semaphore(%run_scoped3A : memref<!tpu.dma_semaphore, #tpu.memory_space<semaphore_mem>>) src(%arg13 : memref<16xf32, #tpu.memory_space<vmem>>) dst(%dma_wait3A_487 : memref<16xf32, #tpu.memory_space<hbm>>)
      tpu.yield
    }) : () -> ()
    "tpu.region"() ({
      %run_scoped3A = tpu.sem_alloc : memref<!tpu.dma_semaphore, #tpu.memory_space<semaphore_mem>>
      %dma_start3A_476 = arith.constant 0 : i32
      %dma_start3A_477 = tpu.memref_slice %arg4[%add3A, %dma_start3A_476] : memref<32x16xi32, #tpu.memory_space<hbm>> -> memref<1x16xi32, #tpu.memory_space<hbm>>
      %dma_start3A_478 = tpu.memref_squeeze %dma_start3A_477 : memref<1x16xi32, #tpu.memory_space<hbm>> -> memref<16xi32, #tpu.memory_space<hbm>>
      %dma_start3A_479 = arith.constant 0 : i32
      %dma_start3A_480 = tpu.memref_slice %arg4[%add3A, %dma_start3A_479] : memref<32x16xi32, #tpu.memory_space<hbm>> -> memref<1x16xi32, #tpu.memory_space<hbm>>
      %dma_start3A_481 = tpu.memref_squeeze %dma_start3A_480 : memref<1x16xi32, #tpu.memory_space<hbm>> -> memref<16xi32, #tpu.memory_space<hbm>>
      tpu.enqueue_dma source(%arg14 : memref<16xi32, #tpu.memory_space<vmem>>) target(%dma_start3A_481 : memref<16xi32, #tpu.memory_space<hbm>>) target_semaphore(%run_scoped3A : memref<!tpu.dma_semaphore, #tpu.memory_space<semaphore_mem>>)
      %dma_wait3A_482 = arith.constant 0 : i32
      %dma_wait3A_483 = tpu.memref_slice %arg4[%add3A, %dma_wait3A_482] : memref<32x16xi32, #tpu.memory_space<hbm>> -> memref<1x16xi32, #tpu.memory_space<hbm>>
      %dma_wait3A_484 = tpu.memref_squeeze %dma_wait3A_483 : memref<1x16xi32, #tpu.memory_space<hbm>> -> memref<16xi32, #tpu.memory_space<hbm>>
      %dma_wait3A_485 = arith.constant 0 : i32
      %dma_wait3A_486 = tpu.memref_slice %arg4[%add3A, %dma_wait3A_485] : memref<32x16xi32, #tpu.memory_space<hbm>> -> memref<1x16xi32, #tpu.memory_space<hbm>>
      %dma_wait3A_487 = tpu.memref_squeeze %dma_wait3A_486 : memref<1x16xi32, #tpu.memory_space<hbm>> -> memref<16xi32, #tpu.memory_space<hbm>>
      tpu.wait_dma2 semaphore(%run_scoped3A : memref<!tpu.dma_semaphore, #tpu.memory_space<semaphore_mem>>) src(%arg14 : memref<16xi32, #tpu.memory_space<vmem>>) dst(%dma_wait3A_487 : memref<16xi32, #tpu.memory_space<hbm>>)
      tpu.yield
    }) : () -> ()
    return
  }
}

module attributes {stable_mosaic.version = 14 : i64} {
  func.func @_merge_body(%arg0: memref<32x16xf32, #tpu.memory_space<vmem>>, %arg1: memref<32x16xi32, #tpu.memory_space<vmem>>, %arg2: memref<1xf32, #tpu.memory_space<smem>>, %arg3: memref<1xi32, #tpu.memory_space<smem>>, %arg4: memref<1xi32, #tpu.memory_space<smem>>) attributes {dimension_semantics = [], scalar_prefetch = 0 : i64, scratch_operands = 0 : i64, tpu.core_type = #tpu.core_type<tc>} {
    %get3A = arith.constant 0 : index
    %get3A_0 = arith.constant 0 : index
    %get3A_1 = vector.load %arg0[%get3A, %get3A_0] : memref<32x16xf32, #tpu.memory_space<vmem>>, vector<32x16xf32>
    %get3A_2 = arith.constant 0 : index
    %get3A_3 = arith.constant 0 : index
    %get3A_4 = vector.load %arg1[%get3A_2, %get3A_3] : memref<32x16xi32, #tpu.memory_space<vmem>>, vector<32x16xi32>
    %reduce_max3A = vector.shape_cast %get3A_1 : vector<32x16xf32> to vector<1x32x16xf32>
    %reduce_max3A_5 = arith.constant dense<0xFF800000> : vector<1xf32>
    %reduce_max3A_6 = vector.multi_reduction <maximumf>, %reduce_max3A, %reduce_max3A_5 [1, 2] : vector<1x32x16xf32> to vector<1xf32>
    %reduce_max3A_7 = vector.shape_cast %reduce_max3A_6 : vector<1xf32> to vector<1x1x1xf32>
    %reduce_max3A_8 = vector.extract %reduce_max3A_7[0, 0, 0] : f32 from vector<1x1x1xf32>
    %eq3A = vector.broadcast %reduce_max3A_8 : f32 to vector<32x16xf32>
    %eq3A_9 = arith.cmpf oeq, %get3A_1, %eq3A : vector<32x16xf32>
    %jit3A = arith.constant 2147483647 : i32
    %broadcast_in_dim3A = vector.broadcast %jit3A : i32 to vector<32x16xi32>
    %select_n3A = arith.select %eq3A_9, %get3A_4, %broadcast_in_dim3A : vector<32x16xi1>, vector<32x16xi32>
    %reduce_min3A = vector.shape_cast %select_n3A : vector<32x16xi32> to vector<1x32x16xi32>
    %reduce_min3A_10 = arith.constant dense<2147483647> : vector<1xi32>
    %reduce_min3A_11 = vector.multi_reduction <minsi>, %reduce_min3A, %reduce_min3A_10 [1, 2] : vector<1x32x16xi32> to vector<1xi32>
    %reduce_min3A_12 = vector.shape_cast %reduce_min3A_11 : vector<1xi32> to vector<1x1x1xi32>
    %reduce_min3A_13 = vector.extract %reduce_min3A_12[0, 0, 0] : i32 from vector<1x1x1xi32>
    %get3A_14 = arith.constant 0 : index
    %get3A_15 = memref.load %arg2[%get3A_14] : memref<1xf32, #tpu.memory_space<smem>>
    %get3A_16 = arith.constant 0 : index
    %get3A_17 = memref.load %arg3[%get3A_16] : memref<1xi32, #tpu.memory_space<smem>>
    %gt3A = arith.cmpf ogt, %get3A_15, %reduce_max3A_8 : f32
    %eq3A_18 = arith.cmpf oeq, %get3A_15, %reduce_max3A_8 : f32
    %lt3A = arith.cmpi slt, %get3A_17, %reduce_min3A_13 : i32
    %and3A = arith.andi %eq3A_18, %lt3A : i1
    %or3A = arith.ori %gt3A, %and3A : i1
    %select_n3A_19 = arith.select %or3A, %get3A_17, %reduce_min3A_13 : i32
    %swap3A = arith.constant 0 : index
    %swap3A_20 = memref.load %arg4[%swap3A] : memref<1xi32, #tpu.memory_space<smem>>
    memref.store %select_n3A_19, %arg4[%swap3A] : memref<1xi32, #tpu.memory_space<smem>>
    return
  }
}

module attributes {stable_mosaic.version = 14 : i64} {
  func.func @_tc_body(%arg0: i32, %arg1: memref<16x32768xf32, #tpu.memory_space<vmem>>, %arg2: memref<1xf32, #tpu.memory_space<smem>>, %arg3: memref<1xi32, #tpu.memory_space<smem>>, %arg4: memref<1xf32, #tpu.memory_space<smem>>, %arg5: memref<1xi32, #tpu.memory_space<smem>>) attributes {dimension_semantics = [#tpu.dimension_semantics<arbitrary>], iteration_bounds = array<i64: 5>, scalar_prefetch = 0 : i64, scratch_operands = 2 : i64, tpu.core_type = #tpu.core_type<tc>, window_params = [{transform_indices = @transform_0, window_bounds = array<i64: 16, 32768>}, {transform_indices = @transform_1, window_bounds = array<i64: 1>}, {transform_indices = @transform_2, window_bounds = array<i64: 1>}]} {
    %eq3A = arith.constant 0 : i32
    %eq3A_0 = arith.cmpi eq, %arg0, %eq3A : i32
    %convert_element_type3A = arith.extui %eq3A_0 : i1 to i32
    %cond3A = arith.constant 0 : i32
    %cond3A_1 = arith.cmpi ne, %convert_element_type3A, %cond3A : i32
    scf.if %cond3A_1 {
      %swap3A = arith.constant 0xFF800000 : f32
      %swap3A_18 = arith.constant 0 : index
      %swap3A_19 = memref.load %arg4[%swap3A_18] : memref<1xf32, #tpu.memory_space<smem>>
      memref.store %swap3A, %arg4[%swap3A_18] : memref<1xf32, #tpu.memory_space<smem>>
      %swap3A_20 = arith.constant 2147483647 : i32
      %swap3A_21 = arith.constant 0 : index
      %swap3A_22 = memref.load %arg5[%swap3A_21] : memref<1xi32, #tpu.memory_space<smem>>
      memref.store %swap3A_20, %arg5[%swap3A_21] : memref<1xi32, #tpu.memory_space<smem>>
    } else {
    }
    %get3A = arith.constant 0 : index
    %get3A_2 = arith.constant 0 : index
    %get3A_3 = vector.load %arg1[%get3A, %get3A_2] : memref<16x32768xf32, #tpu.memory_space<vmem>>, vector<16x32768xf32>
    %reduce_max3A = vector.shape_cast %get3A_3 : vector<16x32768xf32> to vector<1x16x32768xf32>
    %reduce_max3A_4 = arith.constant dense<0xFF800000> : vector<1xf32>
    %reduce_max3A_5 = vector.multi_reduction <maximumf>, %reduce_max3A, %reduce_max3A_4 [1, 2] : vector<1x16x32768xf32> to vector<1xf32>
    %reduce_max3A_6 = vector.shape_cast %reduce_max3A_5 : vector<1xf32> to vector<1x1x1xf32>
    %reduce_max3A_7 = vector.extract %reduce_max3A_6[0, 0, 0] : f32 from vector<1x1x1xf32>
    %get3A_8 = arith.constant 0 : index
    %get3A_9 = memref.load %arg4[%get3A_8] : memref<1xf32, #tpu.memory_space<smem>>
    %ge3A = arith.cmpf oge, %reduce_max3A_7, %get3A_9 : f32
    %convert_element_type3A_10 = arith.extui %ge3A : i1 to i32
    %cond3A_11 = arith.constant 0 : i32
    %cond3A_12 = arith.cmpi ne, %convert_element_type3A_10, %cond3A_11 : i32
    scf.if %cond3A_12 {
      %iota3A = tpu.iota {dimensions = array<i32: 0>} : vector<16x32768xi32>
      %iota3A_18 = tpu.iota {dimensions = array<i32: 1>} : vector<16x32768xi32>
      %add3A = arith.constant 48 : i32
      %add3A_19 = vector.broadcast %add3A : i32 to vector<16x32768xi32>
      %add3A_20 = arith.addi %iota3A, %add3A_19 : vector<16x32768xi32>
      %mul3A = arith.constant 16 : i32
      %mul3A_21 = arith.muli %arg0, %mul3A : i32
      %add3A_22 = vector.broadcast %mul3A_21 : i32 to vector<16x32768xi32>
      %add3A_23 = arith.addi %add3A_20, %add3A_22 : vector<16x32768xi32>
      %mul3A_24 = arith.constant 32768 : i32
      %mul3A_25 = vector.broadcast %mul3A_24 : i32 to vector<16x32768xi32>
      %mul3A_26 = arith.muli %add3A_23, %mul3A_25 : vector<16x32768xi32>
      %add3A_27 = arith.addi %mul3A_26, %iota3A_18 : vector<16x32768xi32>
      %eq3A_28 = vector.broadcast %reduce_max3A_7 : f32 to vector<16x32768xf32>
      %eq3A_29 = arith.cmpf oeq, %get3A_3, %eq3A_28 : vector<16x32768xf32>
      %jit3A = arith.constant 2147483647 : i32
      %broadcast_in_dim3A = vector.broadcast %jit3A : i32 to vector<16x32768xi32>
      %select_n3A = arith.select %eq3A_29, %add3A_27, %broadcast_in_dim3A : vector<16x32768xi1>, vector<16x32768xi32>
      %reduce_min3A = vector.shape_cast %select_n3A : vector<16x32768xi32> to vector<1x16x32768xi32>
      %reduce_min3A_30 = arith.constant dense<2147483647> : vector<1xi32>
      %reduce_min3A_31 = vector.multi_reduction <minsi>, %reduce_min3A, %reduce_min3A_30 [1, 2] : vector<1x16x32768xi32> to vector<1xi32>
      %reduce_min3A_32 = vector.shape_cast %reduce_min3A_31 : vector<1xi32> to vector<1x1x1xi32>
      %reduce_min3A_33 = vector.extract %reduce_min3A_32[0, 0, 0] : i32 from vector<1x1x1xi32>
      %get3A_34 = arith.constant 0 : index
      %get3A_35 = memref.load %arg4[%get3A_34] : memref<1xf32, #tpu.memory_space<smem>>
      %get3A_36 = arith.constant 0 : index
      %get3A_37 = memref.load %arg5[%get3A_36] : memref<1xi32, #tpu.memory_space<smem>>
      %gt3A = arith.cmpf ogt, %reduce_max3A_7, %get3A_35 : f32
      %lt3A = arith.cmpi slt, %reduce_min3A_33, %get3A_37 : i32
      %or3A = arith.ori %gt3A, %lt3A : i1
      %select_n3A_38 = arith.select %or3A, %reduce_min3A_33, %get3A_37 : i32
      %swap3A = arith.constant 0 : index
      %swap3A_39 = memref.load %arg5[%swap3A] : memref<1xi32, #tpu.memory_space<smem>>
      memref.store %select_n3A_38, %arg5[%swap3A] : memref<1xi32, #tpu.memory_space<smem>>
      %gt3A_40 = arith.cmpf ogt, %reduce_max3A_7, %get3A_35 : f32
      %select_n3A_41 = arith.select %gt3A_40, %reduce_max3A_7, %get3A_35 : f32
      %swap3A_42 = arith.constant 0 : index
      %swap3A_43 = memref.load %arg4[%swap3A_42] : memref<1xf32, #tpu.memory_space<smem>>
      memref.store %select_n3A_41, %arg4[%swap3A_42] : memref<1xf32, #tpu.memory_space<smem>>
    } else {
    }
    %eq3A_13 = arith.constant 4 : i32
    %eq3A_14 = arith.cmpi eq, %arg0, %eq3A_13 : i32
    %convert_element_type3A_15 = arith.extui %eq3A_14 : i1 to i32
    %cond3A_16 = arith.constant 0 : i32
    %cond3A_17 = arith.cmpi ne, %convert_element_type3A_15, %cond3A_16 : i32
    scf.if %cond3A_17 {
      %get3A_18 = arith.constant 0 : index
      %get3A_19 = memref.load %arg4[%get3A_18] : memref<1xf32, #tpu.memory_space<smem>>
      %swap3A = arith.constant 0 : index
      %swap3A_20 = memref.load %arg2[%swap3A] : memref<1xf32, #tpu.memory_space<smem>>
      memref.store %get3A_19, %arg2[%swap3A] : memref<1xf32, #tpu.memory_space<smem>>
      %get3A_21 = arith.constant 0 : index
      %get3A_22 = memref.load %arg5[%get3A_21] : memref<1xi32, #tpu.memory_space<smem>>
      %swap3A_23 = arith.constant 0 : index
      %swap3A_24 = memref.load %arg3[%swap3A_23] : memref<1xi32, #tpu.memory_space<smem>>
      memref.store %get3A_22, %arg3[%swap3A_23] : memref<1xi32, #tpu.memory_space<smem>>
    } else {
    }
    return
  }
  func.func @transform_0(%arg0: i32) -> (i32, i32) {
    %add3A = arith.constant 3 : i32
    %add3A_0 = arith.addi %arg0, %add3A : i32
    %c0_i32 = arith.constant 0 : i32
    %c0_i32_1 = arith.constant 0 : i32
    return %add3A_0, %c0_i32 : i32, i32
  }
  func.func @transform_1(%arg0: i32) -> i32 {
    %c0_i32 = arith.constant 0 : i32
    %c0_i32_0 = arith.constant 0 : i32
    return %c0_i32 : i32
  }
  func.func @transform_2(%arg0: i32) -> i32 {
    %c0_i32 = arith.constant 0 : i32
    %c0_i32_0 = arith.constant 0 : i32
    return %c0_i32 : i32
  }
}

</mosaic_0001>

<sc_bundles>
// kernel: kernel.5.cloned.1.call-start
scs
__scs_entry_jumppad:
0x0: {  	(pc) =	sbr.rel $0x88, $3  }
0x1: {  	(tag) =	ssettag $0x0;
	lr =	simm.s32 $0x1  }
0x2: {  	[smem:$0x3FA0] =	sst lr;
	_ =	strace $0xD0000000  }
0x3: {  	_ = 	snop  }
0x4: {  	_ = 	snop  }
0x5: {  	_ = 	snop  }
0x6: {  	_ = 	snop  }
0x7: {  	_ = 	snop  }
__scs_overlays_trampoline_lowered:
0x8: {  	[smem:$0x3FAF] =	sst s0  }
0x9: {  	[smem:$0x3FB0] =	sst s1  }
0xa: {  	[smem:$0x3FB1] =	sst s2  }
0xb: {  	[smem:$0x3FB2] =	sst s3  }
0xc: {  	[smem:$0x3FB3] =	sst s4  }
0xd: {  	[smem:$0x3FB4] =	sst s5  }
0xe: {  	[smem:$0x3FB5] =	sst s6  }
0xf: {  	[smem:$0x3FB6] =	sst s7  }
0x10: {  	[smem:$0x3FB7] =	sst s8  }
0x11: {  	[smem:$0x3FB8] =	sst s9;
	s0 =	simm.s32 @!p0 $0x0  }
0x12: {  	s1 =	sld [smem:$0x3F9E];
	s0 =	simm.s32 @p0 $0x1  }
0x13: {  	[smem:$0x3FB9] =	sst s0;
	s0 =	simm.s32 @!p1 $0x0  }
0x14: {  	s2 =	sld [smem:$0x3F9D];
	s0 =	simm.s32 @p1 $0x1  }
0x15: {  	[smem:$0x3FBA] =	sst s0;
	s0 =	simm.s32 @!p2 $0x0  }
0x16: {  	s3 =	sld [smem:$0x3FDB];
	s0 =	simm.s32 @p2 $0x1  }
0x17: {  	s4 =	simm.s32 $0x1BF5;
	[smem:$0x3FBC] =	sst s0  }
0x18: {  	s0 =	sld [smem:$0x3F9F];
	_ =	swait.ge [sflag:s4], $0x0  }
0x19: {  	s7 =	sld [smem:$0x3FA0]  }
0x1a: {  	s8 =	sadd.s32 $0xFFFFE003, lr  }
0x1b: {  	s9 =	sadd.s32 $0xFFFFFEF7, lr;
	s5 =	simm.s32 $0xFFFFFFFF;
	p2 =	slt.u32 s8, $0xFFFFF086  }
0x1c: {  	p1 =	slt.u32 s9, $0xF7A;
	s5 =	simm.s32 @!p2 $0x0  }
0x1d: {  	s5 =	simm.s32 @p1 $0x1;
	p0 =	seq.s32 s7, s2  }
0x1e: {  	s7 =	smul.u32 @!p0 $0xF7A, s2;
	p2 =	seq.s32 @!p0 s5, $0x0  }
0x1f: {  	s9 =	smul.u32 $0xF7A, s1;
	s8 =	simm.s32 @!p0 $0x1BF5;
	p2 =	por !p2, p0  }
0x20: {  	[sflag:s8] =	ssyncset.s32 @!p0 $0xFFFFF086;
	s6 =	sadd.s32 @!p0 s3, s7;
	s7 =	simm.s32 @!p0 $0x108  }
0x21: {  	s3 =	sadd.s32 s3, s9;
	s6 =	sadd.s32 @!p0 $0x88, s6;
	s7 =	simm.s32 @p2 $0x1082  }
0x22: {  	[simem:s7], [sflag:s8] =	dma.local @!p0 [hbm:s6], $0xF7A  }
0x23: {  	s9 =	sor.u32 $0xD0000000, s2;
	s6 =	simm.s32 $0x108;
	_ =	swait.ge @!p0 [sflag:s8], $0x0  }
0x24: {  	s3 =	sadd.s32 $0x88, s3;
	s6 =	simm.s32 @!p1 $0x1082;
	[sflag:s4] =	ssyncset.s32 $0xFFFFF086  }
0x25: {  	[simem:s6], [sflag:s4] =	dma.local [hbm:s3], $0xF7A  }
0x26: {  	[smem:$0x3FA0] =	sst s1;
	(tag) =	ssettag s2;
	_ =	strace s9  }
0x27: {  	s1 =	sld [smem:$0x3FB0]  }
0x28: {  	s2 =	sld [smem:$0x3FB1]  }
0x29: {  	s4 =	sld [smem:$0x3FB3]  }
0x2a: {  	p0 =	seq.s32 s5, $0x0;
	s5 =	sld [smem:$0x3FB4]  }
0x2b: {  	s6 =	sld [smem:$0x3FB5]  }
0x2c: {  	s7 =	sld [smem:$0x3FB6]  }
0x2d: {  	s3 =	simm.s32 $0x108;
	s8 =	sld [smem:$0x3FB7]  }
0x2e: {  	s3 =	simm.s32 @!p0 $0x1082;
	s9 =	sld [smem:$0x3FB8]  }
0x2f: {  	lr =	sadd.s32 s0, s3;
	s0 =	sld [smem:$0x3FAF]  }
0x30: {  	s3 =	sld [smem:$0x3FB2]  }
0x31: {  	[smem:$0x3FBB] =	sst s10  }
0x32: {  	s10 =	sld [smem:$0x3FB9];
	_ =	sdelay $0x3  }
0x33: {  	p0 =	seq.s32 s10, $0x1;
	s10 =	sld [smem:$0x3FBB];
	_ =	sdelay $0x3  }
0x34: {  	[smem:$0x3FBB] =	sst s10  }
0x35: {  	s10 =	sld [smem:$0x3FBA];
	_ =	sdelay $0x3  }
0x36: {  	p1 =	seq.s32 s10, $0x1;
	s10 =	sld [smem:$0x3FBB];
	_ =	sdelay $0x3  }
0x37: {  	[smem:$0x3FBB] =	sst s10  }
0x38: {  	s10 =	sld [smem:$0x3FBC]  }
0x39: {  	_ = 	snop;
	(pc) =	sbr.ind lr, $3  }
0x3a: {  	_ = 	snop  }
0x3b: {  	_ = 	snop  }
0x3c: {  	p2 =	seq.s32 s10, $0x1;
	s10 =	sld [smem:$0x3FBB]  }
0x3d: {  	_ =	shalt  }
0x3e: {  	_ =	shalt  }
0x3f: {  	_ =	shalt  }
0x40: {  	_ =	shalt  }
0x41: {  	_ =	shalt  }
0x42: {  	_ =	shalt  }
0x43: {  	_ =	shalt  }
0x44: {  	_ =	shalt  }
0x45: {  	_ =	shalt  }
0x46: {  	_ =	shalt  }
0x47: {  	_ =	shalt  }
0x48: {  	_ =	shalt  }
0x49: {  	_ =	shalt  }
0x4a: {  	_ =	shalt  }
0x4b: {  	_ =	shalt  }
0x4c: {  	_ =	shalt  }
0x4d: {  	_ =	shalt  }
0x4e: {  	_ =	shalt  }
0x4f: {  	_ =	shalt  }
0x50: {  	_ =	shalt  }
0x51: {  	_ =	shalt  }
0x52: {  	_ =	shalt  }
0x53: {  	_ =	shalt  }
0x54: {  	_ =	shalt  }
0x55: {  	_ =	shalt  }
0x56: {  	_ =	shalt  }
0x57: {  	_ =	shalt  }
0x58: {  	_ =	shalt  }
0x59: {  	_ =	shalt  }
0x5a: {  	_ =	shalt  }
0x5b: {  	_ =	shalt  }
0x5c: {  	_ =	shalt  }
0x5d: {  	_ =	shalt  }
0x5e: {  	_ =	shalt  }
0x5f: {  	_ =	shalt  }
0x60: {  	_ =	shalt  }
0x61: {  	_ =	shalt  }
0x62: {  	_ =	shalt  }
0x63: {  	_ =	shalt  }
0x64: {  	_ =	shalt  }
0x65: {  	_ =	shalt  }
0x66: {  	_ =	shalt  }
0x67: {  	_ =	shalt  }
0x68: {  	_ =	shalt  }
0x69: {  	_ =	shalt  }
0x6a: {  	_ =	shalt  }
0x6b: {  	_ =	shalt  }
0x6c: {  	_ =	shalt  }
0x6d: {  	_ =	shalt  }
0x6e: {  	_ =	shalt  }
0x6f: {  	_ =	shalt  }
0x70: {  	_ =	shalt  }
0x71: {  	_ =	shalt  }
0x72: {  	_ =	shalt  }
0x73: {  	_ =	shalt  }
0x74: {  	_ =	shalt  }
0x75: {  	_ =	shalt  }
0x76: {  	_ =	shalt  }
0x77: {  	_ =	shalt  }
0x78: {  	_ =	shalt  }
0x79: {  	_ =	shalt  }
0x7a: {  	_ =	shalt  }
0x7b: {  	_ =	shalt  }
0x7c: {  	_ =	shalt  }
0x7d: {  	_ =	shalt  }
0x7e: {  	_ =	shalt  }
0x7f: {  	_ =	shalt  }
0x80: {  	_ =	shalt  }
0x81: {  	_ =	shalt  }
0x82: {  	_ =	shalt  }
0x83: {  	_ =	shalt  }
0x84: {  	_ =	shalt  }
0x85: {  	_ =	shalt  }
0x86: {  	_ =	shalt  }
0x87: {  	_ =	shalt  }
.Lfunc_end0:
.L_simem_size_0:
called_computation_lowered:
.L_overlay_start_0:
0x88: {  	s2 =	sld [smem:$0x3FD9]  }
0x89: {  	s3 =	sld [smem:$0x3FFE];
	_ =	sdelay $0x1  }
0x8a: {  	s1 =	srdreg.scid  }
0x8b: {  	s0 =	sand.u32 $0x1, s1  }
0x8c: {  	s17 =	sshll.u32 s0, $0xA;
	s2 =	sadd.s32 s3, s2  }
0x8d: {  	s2 =	sadd.s32 s2, s17  }
0x8e: {  	[smem:$0x3FC7] =	sst s2  }
0x8f: {  	_ = 	snop  }
0x90: {  	s2 =	sld [smem:$0x3FC9];
	(tm) =	ssettm $0x1  }
0x91: {  	s18 =	sld [smem:$0x3FFB];
	_ =	sdelay $0x3  }
0x92: {  	_ =	strace s18  }
0x93: {  	s3 =	sld [smem:$0x3FFC];
	_ =	sdelay $0x3  }
0x94: {  	_ =	strace s3  }
0x95: {  	s3 =	sld [smem:$0x3FFD];
	_ =	sdelay $0x3  }
0x96: {  	_ =	strace s3  }
0x97: {  	_ =	strace $0x8FFFFFFF  }
0x98: {  	s19 =	sld [smem:$0x3FDB];
	_ =	sdelay $0x1  }
0x99: {  	s4 =	simm.s32 $_scs_section_size  }
0x9a: {  	s5 =	simm.s32 $_size__tile_overlayer_lowered;
	s6 =	simm.s32 $_tile_overlayer_lowered  }
0x9b: {  	s22 =	simm.s32 $0x1BFF;
	s21 =	sshll.u32 s6, $0x1;
	s3 =	sadd.s32 s4, s19  }
0x9c: {  	s7 =	simm.s32 $0x0;
	s20 =	sshll.u32 s5, $0x1;
	s5 =	sadd.s32 s21, s3  }
0x9d: {  	[timem:s7], [sflag:s22] =	dma.local [hbm:s5], s20  }
0x9e: {  	_ =	swait.ge [sflag:s22], s20  }
0x9f: {  	s4 =	ssub.s32 $0x0, s20;
	[sflag:s22] =	ssyncset.done $0x0  }
0xa0: {  	[sflag:s22] =	ssyncadd.s32 s4;
	_ =	sdelay $0x1  }
0xa1: {  	s23 =	simm.s32 $0x1B8B  }
0xa2: {  	_ =	swait.ge [sflag:s23], $0x1  }
0xa3: {  	[sflag:s23] =	ssyncset.done $0x0  }
0xa4: {  	s25 =	simm.s32 $0x1B8E;
	s24 =	sld [smem:$0x3FFE];
	[sflag:s23] =	ssyncadd.s32 $0xFFFFFFFF  }
0xa5: {  	s26 =	simm.s32 $execute0_lowered;
	[smem:$0x3FD2] =	sst s25  }
0xa6: {  	s5 =	sshll.u32 s26, $0x1;
	_ =	strace $0x80000046;
	[dreg:$0x1] =	wrdreg $0xFFFFFFFF  }
0xa7: {  	s28 =	simm.s32 $_size_execute0_lowered;
	s3 =	sadd.s32 s3, s5;
	[dreg:$0x0] =	wrdreg $0x0  }
0xa8: {  	s5 =	sshll.u32 s28, $0x1;
	[dreg:$0x2] =	wrdreg s3  }
0xa9: {  	[dreg:$0x3] =	wrdreg s5  }
0xaa: {  	[dreg:$0x4] =	wrdreg $0xC0  }
0xab: {  	_ =	task [dreg:s7], $0x5FFFF  }
0xac: {  	[dreg:$0x1] =	wrdreg $0xFFFFFFFF  }
0xad: {  	[dreg:$0x0] =	wrdreg $0x60  }
0xae: {  	[dreg:$0x2] =	wrdreg s2  }
0xaf: {  	[dreg:$0x3] =	wrdreg s24  }
0xb0: {  	[dreg:$0x4] =	wrdreg $0x9  }
0xb1: {  	_ =	task.clear_ibuf [dreg:s7], $0x5FFFF;
	_ =	strace $0x90000046  }
0xb2: {  	s29 =	simm.s32 $0x9;
	_ =	strace $0x80000048  }
0xb3: {  	_ =	swait.ge [sflag:s29], $0x1  }
0xb4: {  	[sflag:s29] =	ssyncadd.s32 $0xFFFFFFFF  }
0xb5: {  	_ =	strace $0x90000048  }
0xb6: {  	_ =	sfence  }
0xb7: {  	s30 =	sld [smem:$0x0];
	_ =	sdelay $0x2  }
0xb8: {  	s31 =	sshll.u32 s1, $0xD;
	s1 =	sshrl.u32 s1, $0x2  }
0xb9: {  	s3 =	sand.u32 $0x4000, s31;
	s1 =	sadd.s32 s1, s30  }
0xba: {  	s0 =	sor.u32 s3, s0;
	s1 =	sshll.u32 s1, $0x11  }
0xbb: {  	s0 =	sor.u32 s1, s0  }
0xbc: {  	s0 =	sadd.s32 $0x8F2B, s0  }
0xbd: {  	[sflag:s0] =	ssyncadd.remote.s32 $0x1  }
0xbe: {  	_ =	sfence.sel $0xFFFF  }
0xbf: {  	[dreg:$0x0] =	wrdreg $0xFFFFFFFF;
	(pc) =	sbr.abs _section_cstart, $3  }
0xc0: {  	[dreg:$0x1] =	wrdreg $0xFFFFFFFF  }
0xc1: {  	_ =	task.clear_ibuf [dreg:s7], $0x2FFFF;
	_ =	strace $0x9FFFFFFF  }
0xc2: {  	(tm) =	ssettm $0x7FFFFFFF  }
0xc3: {  	_ =	shalt  }
tec
execute0_lowered:
.L_overlay_start_1:
0x0: {  	(tag) =	ssettag $0x1  }
0x1: {  	s8 =	rddreg [dreg:$0x0];
	s0 =	srdreg.scid  }
0x2: {  	s2 =	stileid.u32;
	s1 =	rddreg [dreg:$0x1];
	s15 =	simm.s32 $0x4000  }
0x3: {  	s16 =	simm.s32 $0x6000;
	s28 =	simm.s32 $0xC080;
	s29 =	simm.s32 $0x0  }
0x4: {  	s0 =	sand.u32 $0x1, s0;
	s3 =	sshll.u32 s2, $0x1;
	s2 =	simm.s32 $0x0  }
0x5: {  	s3 =	sor.u32 s0, s3;
	[smem:$0x7FF] =	sst s2;
	s17 =	ssub.s32 $0x2, s0  }
0x6: {  	s0 =	sshll.u32 s0, $0x11;
	s6 =	smul.u32 $0xC000, s3;
	s3 =	sshll.u32 s3, $0x4  }
0x7: {  	_ =	strace $0x80000047;
	s4 =	sshrl.u32 s17, $0x1;
	s10 =	sadd.s32 s3, s1  }
0x8: {  	s1 =	ssub.s32 s17, s4;
	s17 =	simm.s32 $0x8000;
	s18 =	sshrl.u32 s6, $0x8  }
0x9: {  	s5 =	sadd.s32 $0x4000, s6;
	s20 =	sadd.s32 $0x6000, s6;
	s12 =	sadd.s32 $0x8000, s6  }
0xa: {  	s23 =	sadd.s32 $0xA000, s6;
	s3 =	sor.u32 s18, s6;
	s7 =	sshll.u32 s5, $0x3  }
0xb: {  	s9 =	sand.u32 $0x3C0000, s5;
	s5 =	sshrl.u32 s5, $0x8;
	s21 =	sshll.u32 s20, $0x3  }
0xc: {  	s11 =	sand.u32 $0x3C0000, s20;
	s22 =	sshrl.u32 s12, $0x8;
	s13 =	sshll.u32 s23, $0x3  }
0xd: {  	s14 =	sshrl.u32 s23, $0x8;
	s24 =	sand.u32 $0x3C0000, s23;
	s18 =	simm.s32 $0xA000  }
0xe: {  	s23 =	simm.s32 $0x5;
	s3 =	sand.u32 $0x1C0380, s3;
	s7 =	sand.u32 $0x20000, s7  }
0xf: {  	v0 =	vimm.s32 $0xFEDCBA98;
	v3 =	vimm.s32 $0x76543210;
	s5 =	sand.u32 $0x380, s5;
	s25 =	sand.u32 $0x30000, s13;
	s26 =	sand.u32 $0x380, s14  }
0x10: {  	v5 =	vimm.s32 $0x32107654;
	v6 =	vimm.s32 $0xDCFE98BA;
	s13 =	simm.s32 $0x400;
	s3 =	sor.u32 s0, s3;
	s7 =	sor.u32 s9, s7  }
0x11: {  	v7 =	vimm.s32 $0x54761032;
	v2 =	vunpack.c.l.s4.s8 v0;
	v0 =	vmov s6;
	s9 =	sand.u32 $0x30000, s21;
	s6 =	sor.u32 s24, s25;
	s21 =	simm.s32 $0x3  }
0x12: {  	v8 =	vimm.s32 $0xEFCDAB89;
	v9 =	vimm.s32 $0x67452301;
	v3 =	vunpack.c.l.s4.s8 v3;
	s24 =	simm.s32 $0x6;
	s25 =	simm.s32 $0xC000;
	s3 =	sshrl.u32 s3, $0x3  }
0x13: {  	v6 =	vunpack.c.l.s4.s8 v6;
	v7 =	vunpack.c.l.s4.s8 v7;
	v8 =	vunpack.c.l.s4.s8 v8;
	s19 =	sor.u32 s5, s7;
	s9 =	sor.u32 s11, s9;
	s7 =	sshrl.u32 s20, $0x8  }
0x14: {  	v9 =	vunpack.c.l.s4.s8 v9;
	v4 =	vunpack.c.0.s8.s32 v2;
	v2 =	vimm.s32 $0xBA98FEDC;
	s11 =	sor.u32 s22, s12;
	s30 =	sor.u32 s26, s6;
	s12 =	simm.s32 $0x80  }
0x15: {  	v5 =	vunpack.c.l.s4.s8 v5;
	v6 =	vunpack.c.0.s8.s32 v6;
	v2 =	vunpack.c.l.s4.s8 v2;
	s20 =	simm.s32 $0x2;
	s22 =	simm.s32 $0x4;
	s26 =	simm.s32 $0x7  }
0x16: {  	v7 =	vunpack.c.0.s8.s32 v7;
	v8 =	vunpack.c.0.s8.s32 v8;
	v9 =	vunpack.c.0.s8.s32 v9;
	s3 =	sadd.s32 s8, s3;
	s5 =	sshrl.u32 s19, $0x3;
	s7 =	sand.u32 $0x380, s7  }
0x17: {  	v5 =	vunpack.c.0.s8.s32 v5;
	v11 =	vand.u32 $0xF, v4;
	v2 =	vunpack.c.0.s8.s32 v2;
	s11 =	sand.u32 $0x3C0380, s11;
	s31 =	sshrl.u32 s30, $0x3;
	s19 =	simm.s32 $0x1  }
0x18: {  	v7 =	vcombine.low v7, v6;
	v8 =	vcombine.low v9, v8;
	v4 =	vlaneseq.u32;
	s4 =	sadd.s32 $0x2000, s3;
	s5 =	sadd.s32 s8, s5;
	s7 =	sor.u32 s7, s9  }
0x19: {  	v1 =	vor.u32 $0x10, v0;
	v10 =	vcombine.low v5, v2;
	v5 =	vunpack.c.0.s8.s32 v3;
	s0 =	sor.u32 s0, s11;
	s9 =	sadd.s32 $0x1000, s10;
	s10 =	sadd.s32 $0x1200, s10  }
0x1a: {  	v7 =	vand.u32 $0xF, v7;
	v8 =	vand.u32 $0xF, v8;
	v2 =	vor.u32 $0x20, v0;
	s11 =	smax.u32 s1, $0x1;
	s7 =	sshrl.u32 s7, $0x3;
	s0 =	sshrl.u32 s0, $0x3  }
0x1b: {  	v3 =	vor.u32 $0x30, v0;
	v5 =	vcombine.low v11, v5;
	v6 =	vand.u32 $0xF, v10;
	s6 =	sadd.s32 s8, s7;
	s7 =	sadd.s32 s8, s0;
	s8 =	sadd.s32 s8, s31  }
.LBB2_1:
0x1c: {  	[tilespmem:s2], [sflag:$0x1] =	stream.strided.gather [hbm4b:s3+s12], $0x2000, s13, s12, $0x38;
	[tilespmem:$0xC100] =	vst v63  }
0x1d: {  	s0 =	simm.s32 $0x2000  }
0x1e: {  	[tilespmem:s0], [sflag:$0x2] =	stream.strided.gather [hbm4b:s4+s12], $0x2000, s13, s12, $0x38;
	[tilespmem:$0xC100] =	vst v63  }
0x1f: {  	_ = 	snop  }
0x20: {  	[tilespmem:s15], [sflag:$0x3] =	stream.strided.gather [hbm4b:s5+s12], $0x2000, s13, s12, $0x38;
	[tilespmem:$0xC100] =	vst v63  }
0x21: {  	_ = 	snop  }
0x22: {  	[tilespmem:s16], [sflag:$0x4] =	stream.strided.gather [hbm4b:s6+s12], $0x2000, s13, s12, $0x38;
	[tilespmem:$0xC100] =	vst v63  }
0x23: {  	_ = 	snop  }
0x24: {  	[tilespmem:s17], [sflag:$0x5] =	stream.strided.gather [hbm4b:s7+s12], $0x2000, s13, s12, $0x38;
	[tilespmem:$0xC100] =	vst v63  }
0x25: {  	_ = 	snop  }
0x26: {  	[tilespmem:s18], [sflag:$0x6] =	stream.strided.gather [hbm4b:s8+s12], $0x2000, s13, s12, $0x38;
	[tilespmem:$0xC100] =	vst v63  }
0x27: {  	_ =	swait.ge [sflag:s19], $0x2000  }
0x28: {  	[sflag:s19] =	ssyncset.done $0x0  }
0x29: {  	s14 =	simm.s32 $0x20;
	[sflag:s19] =	ssyncadd.s32 $0xFFFFE000  }
0x2a: {  	v12 =	vld [tilespmem:s14+$0x10]  }
0x2b: {  	v13 =	vld [tilespmem:s14+$0x0]  }
0x2c: {  	v18 =	vld [tilespmem:s14+$0xFFFFFFF0];
	_ =	sdelay $0x1  }
0x2d: {  	v9 =	vld [tilespmem:s14+$0xFFFFFFE0]  }
0x2e: {  	v10 =	vimm.f32 $-Inf  }
0x2f: {  	v11 =	vimm.s32 $0x0;
	s1 =	simm.s32 $0x60;
	vm0 =	vgt.f32 v12, v10  }
0x30: {  	s31 =	simm.s32 $0x0;
	v14 =	vld [tilespmem:s1+$0x10];
	vm1 =	vgt.f32 v13, v10;
	vm2 =	vgt.f32 v18, v10;
	v16 =	vsel vm0, v12, v10  }
0x31: {  	v15 =	vld [tilespmem:s1+$0x0];
	v12 =	vsel vm0, s31, v11;
	v17 =	vsel vm1, v13, v10;
	v13 =	vsel vm1, s31, v11  }
0x32: {  	s30 =	simm.s32 $0x4;
	v19 =	vld [tilespmem:s1+$0xFFFFFFF0];
	vm0 =	vgt.f32 v9, v10;
	v20 =	vsel vm2, v18, v10;
	v18 =	vsel vm2, s31, v11  }
.LBB2_2:
0x33: {  	v11 =	vsel vm0, s31, v11;
	s31 =	smov.u32 s30;
	s30 =	sadd.s32 $0x4, s30  }
0x34: {  	v10 =	vsel vm0, v9, v10;
	v9 =	vld [tilespmem:s1+$0xFFFFFFE0];
	p0 =	slt.u32 s30, $0x1FC  }
.Ltmp0:
0x35: {  	(pc) =	sbr.rel @p0 .LBB2_2-.Ltmp0, $4  }
0x36: {  	s1 =	sadd.s32 $0x40, s1;
	vm0 =	vgt.f32 v14, v16  }
0x37: {  	vm1 =	vgt.f32 v15, v17;
	v16 =	vsel vm0, v14, v16;
	v14 =	vld [tilespmem:s1+$0x10];
	v12 =	vsel vm0, s31, v12  }
0x38: {  	vm2 =	vgt.f32 v19, v20;
	v17 =	vsel vm1, v15, v17;
	v15 =	vld [tilespmem:s1+$0x0];
	v13 =	vsel vm1, s31, v13  }
0x39: {  	vm0 =	vgt.f32 v9, v10;
	v20 =	vsel vm2, v19, v20;
	v19 =	vld [tilespmem:s1+$0xFFFFFFF0];
	v18 =	vsel vm2, s31, v18  }
0x3a: {  	v21 =	vld [tilespmem:s1+$0xFFFFFFE0];
	_ =	swait.ge [sflag:s20], $0x2000  }
0x3b: {  	[sflag:s20] =	ssyncset.done $0x0  }
0x3c: {  	s0 =	simm.s32 $0x2020;
	[sflag:s20] =	ssyncadd.s32 $0xFFFFE000  }
0x3d: {  	v22 =	vld [tilespmem:s0+$0x10]  }
0x3e: {  	v23 =	vld [tilespmem:s0+$0x0]  }
0x3f: {  	v10 =	vsel vm0, v9, v10;
	v11 =	vsel vm0, s31, v11;
	vm0 =	vgt.f32 v14, v16;
	v24 =	vld [tilespmem:s0+$0xFFFFFFF0]  }
0x40: {  	vm1 =	vgt.f32 v15, v17;
	v16 =	vsel vm0, v14, v16;
	vm2 =	vgt.f32 v19, v20  }
0x41: {  	v25 =	vsel vm0, s30, v12;
	v9 =	vld [tilespmem:s0+$0xFFFFFFE0];
	v17 =	vsel vm1, v15, v17;
	v20 =	vsel vm2, v19, v20  }
0x42: {  	v19 =	vsel vm1, s30, v13;
	vm0 =	vgt.f32 v21, v10;
	v18 =	vsel vm2, s30, v18  }
0x43: {  	s31 =	simm.s32 $0x2060;
	v12 =	vsel vm0, v21, v10;
	v13 =	vsel vm0, s30, v11;
	vm0 =	vgt.f32 v22, v16  }
0x44: {  	v14 =	vld [tilespmem:s31+$0x10];
	s30 =	simm.s32 $0x200;
	vm1 =	vgt.f32 v23, v17;
	vm2 =	vgt.f32 v24, v20;
	v16 =	vsel vm0, v22, v16  }
0x45: {  	v15 =	vld [tilespmem:s31+$0x0];
	v10 =	vsel vm0, s30, v25;
	v17 =	vsel vm1, v23, v17;
	v11 =	vsel vm1, s30, v19  }
0x46: {  	s1 =	simm.s32 $0x0;
	s0 =	simm.s32 $0x4;
	v19 =	vld [tilespmem:s31+$0xFFFFFFF0];
	vm0 =	vgt.f32 v9, v12;
	v20 =	vsel vm2, v24, v20;
	v18 =	vsel vm2, s30, v18  }
.LBB2_4:
0x47: {  	s14 =	smov.u32 s0;
	s0 =	sadd.s32 $0x4, s0  }
0x48: {  	v12 =	vsel vm0, v9, v12;
	v9 =	vld [tilespmem:s31+$0xFFFFFFE0];
	v13 =	vsel vm0, s30, v13;
	p0 =	slt.u32 s0, $0x1FC  }
.Ltmp1:
0x49: {  	(pc) =	sbr.rel @p0 .LBB2_4-.Ltmp1, $4  }
0x4a: {  	s30 =	sadd.s32 $0x204, s1;
	s31 =	sadd.s32 $0x40, s31;
	s1 =	smov.u32 s14;
	vm0 =	vgt.f32 v14, v16  }
0x4b: {  	vm1 =	vgt.f32 v15, v17;
	v16 =	vsel vm0, v14, v16;
	v14 =	vld [tilespmem:s31+$0x10];
	v10 =	vsel vm0, s30, v10  }
0x4c: {  	vm2 =	vgt.f32 v19, v20;
	v17 =	vsel vm1, v15, v17;
	v15 =	vld [tilespmem:s31+$0x0];
	v11 =	vsel vm1, s30, v11  }
0x4d: {  	vm0 =	vgt.f32 v9, v12;
	v20 =	vsel vm2, v19, v20;
	v19 =	vld [tilespmem:s31+$0xFFFFFFF0];
	v18 =	vsel vm2, s30, v18  }
0x4e: {  	v21 =	vld [tilespmem:s31+$0xFFFFFFE0];
	_ =	swait.ge [sflag:s21], $0x2000  }
0x4f: {  	[sflag:s21] =	ssyncset.done $0x0  }
0x50: {  	s0 =	simm.s32 $0x4020;
	[sflag:s21] =	ssyncadd.s32 $0xFFFFE000  }
0x51: {  	v22 =	vld [tilespmem:s0+$0x10]  }
0x52: {  	v23 =	vld [tilespmem:s0+$0x0]  }
0x53: {  	v12 =	vsel vm0, v9, v12;
	v13 =	vsel vm0, s30, v13;
	s1 =	sadd.s32 $0x204, s1;
	vm0 =	vgt.f32 v14, v16;
	v24 =	vld [tilespmem:s0+$0xFFFFFFF0]  }
0x54: {  	vm1 =	vgt.f32 v15, v17;
	v16 =	vsel vm0, v14, v16;
	v10 =	vsel vm0, s1, v10  }
0x55: {  	v9 =	vld [tilespmem:s0+$0xFFFFFFE0];
	vm2 =	vgt.f32 v19, v20;
	v17 =	vsel vm1, v15, v17;
	v11 =	vsel vm1, s1, v11  }
0x56: {  	v20 =	vsel vm2, v19, v20;
	vm0 =	vgt.f32 v21, v12;
	v18 =	vsel vm2, s1, v18  }
0x57: {  	s31 =	simm.s32 $0x4060;
	v12 =	vsel vm0, v21, v12;
	v13 =	vsel vm0, s1, v13;
	vm0 =	vgt.f32 v22, v16  }
0x58: {  	s30 =	simm.s32 $0x400;
	v14 =	vld [tilespmem:s31+$0x10];
	vm1 =	vgt.f32 v23, v17;
	vm2 =	vgt.f32 v24, v20;
	v16 =	vsel vm0, v22, v16  }
0x59: {  	v15 =	vld [tilespmem:s31+$0x0];
	v10 =	vsel vm0, s30, v10;
	v17 =	vsel vm1, v23, v17;
	v11 =	vsel vm1, s30, v11  }
0x5a: {  	s0 =	simm.s32 $0x4;
	v19 =	vld [tilespmem:s31+$0xFFFFFFF0];
	s1 =	simm.s32 $0x0;
	vm0 =	vgt.f32 v9, v12;
	v20 =	vsel vm2, v24, v20;
	v18 =	vsel vm2, s30, v18  }
.LBB2_6:
0x5b: {  	s14 =	smov.u32 s0;
	s0 =	sadd.s32 $0x4, s0  }
0x5c: {  	v12 =	vsel vm0, v9, v12;
	v9 =	vld [tilespmem:s31+$0xFFFFFFE0];
	v13 =	vsel vm0, s30, v13;
	p0 =	slt.u32 s0, $0x1FC  }
.Ltmp2:
0x5d: {  	(pc) =	sbr.rel @p0 .LBB2_6-.Ltmp2, $4  }
0x5e: {  	s30 =	sadd.s32 $0x404, s1;
	s31 =	sadd.s32 $0x40, s31;
	s1 =	smov.u32 s14;
	vm0 =	vgt.f32 v14, v16  }
0x5f: {  	vm1 =	vgt.f32 v15, v17;
	v16 =	vsel vm0, v14, v16;
	v14 =	vld [tilespmem:s31+$0x10];
	v10 =	vsel vm0, s30, v10  }
0x60: {  	vm2 =	vgt.f32 v19, v20;
	v17 =	vsel vm1, v15, v17;
	v15 =	vld [tilespmem:s31+$0x0];
	v11 =	vsel vm1, s30, v11  }
0x61: {  	vm0 =	vgt.f32 v9, v12;
	v20 =	vsel vm2, v19, v20;
	v19 =	vld [tilespmem:s31+$0xFFFFFFF0];
	v18 =	vsel vm2, s30, v18  }
0x62: {  	v21 =	vld [tilespmem:s31+$0xFFFFFFE0];
	_ =	swait.ge [sflag:s22], $0x2000  }
0x63: {  	[sflag:s22] =	ssyncset.done $0x0  }
0x64: {  	s0 =	simm.s32 $0x6020;
	[sflag:s22] =	ssyncadd.s32 $0xFFFFE000  }
0x65: {  	v22 =	vld [tilespmem:s0+$0x10]  }
0x66: {  	v23 =	vld [tilespmem:s0+$0x0]  }
0x67: {  	v12 =	vsel vm0, v9, v12;
	v13 =	vsel vm0, s30, v13;
	s1 =	sadd.s32 $0x404, s1;
	vm0 =	vgt.f32 v14, v16;
	v24 =	vld [tilespmem:s0+$0xFFFFFFF0]  }
0x68: {  	vm1 =	vgt.f32 v15, v17;
	v16 =	vsel vm0, v14, v16;
	v10 =	vsel vm0, s1, v10  }
0x69: {  	v9 =	vld [tilespmem:s0+$0xFFFFFFE0];
	vm2 =	vgt.f32 v19, v20;
	v17 =	vsel vm1, v15, v17;
	v11 =	vsel vm1, s1, v11  }
0x6a: {  	v20 =	vsel vm2, v19, v20;
	vm0 =	vgt.f32 v21, v12;
	v18 =	vsel vm2, s1, v18  }
0x6b: {  	s31 =	simm.s32 $0x6060;
	v12 =	vsel vm0, v21, v12;
	v13 =	vsel vm0, s1, v13;
	vm0 =	vgt.f32 v22, v16  }
0x6c: {  	s30 =	simm.s32 $0x600;
	v14 =	vld [tilespmem:s31+$0x10];
	vm1 =	vgt.f32 v23, v17;
	vm2 =	vgt.f32 v24, v20;
	v16 =	vsel vm0, v22, v16  }
0x6d: {  	v15 =	vld [tilespmem:s31+$0x0];
	v10 =	vsel vm0, s30, v10;
	v17 =	vsel vm1, v23, v17;
	v11 =	vsel vm1, s30, v11  }
0x6e: {  	s0 =	simm.s32 $0x4;
	v19 =	vld [tilespmem:s31+$0xFFFFFFF0];
	s1 =	simm.s32 $0x0;
	vm0 =	vgt.f32 v9, v12;
	v20 =	vsel vm2, v24, v20;
	v18 =	vsel vm2, s30, v18  }
.LBB2_8:
0x6f: {  	s14 =	smov.u32 s0;
	s0 =	sadd.s32 $0x4, s0  }
0x70: {  	v12 =	vsel vm0, v9, v12;
	v9 =	vld [tilespmem:s31+$0xFFFFFFE0];
	v13 =	vsel vm0, s30, v13;
	p0 =	slt.u32 s0, $0x1FC  }
.Ltmp3:
0x71: {  	(pc) =	sbr.rel @p0 .LBB2_8-.Ltmp3, $4  }
0x72: {  	s30 =	sadd.s32 $0x604, s1;
	s31 =	sadd.s32 $0x40, s31;
	s1 =	smov.u32 s14;
	vm0 =	vgt.f32 v14, v16  }
0x73: {  	vm1 =	vgt.f32 v15, v17;
	v16 =	vsel vm0, v14, v16;
	v14 =	vld [tilespmem:s31+$0x10];
	v10 =	vsel vm0, s30, v10  }
0x74: {  	vm2 =	vgt.f32 v19, v20;
	v17 =	vsel vm1, v15, v17;
	v15 =	vld [tilespmem:s31+$0x0];
	v11 =	vsel vm1, s30, v11  }
0x75: {  	vm0 =	vgt.f32 v9, v12;
	v20 =	vsel vm2, v19, v20;
	v19 =	vld [tilespmem:s31+$0xFFFFFFF0];
	v18 =	vsel vm2, s30, v18  }
0x76: {  	v21 =	vld [tilespmem:s31+$0xFFFFFFE0];
	_ =	swait.ge [sflag:s23], $0x2000  }
0x77: {  	[sflag:s23] =	ssyncset.done $0x0  }
0x78: {  	s0 =	simm.s32 $0x8020;
	[sflag:s23] =	ssyncadd.s32 $0xFFFFE000  }
0x79: {  	v22 =	vld [tilespmem:s0+$0x10]  }
0x7a: {  	v23 =	vld [tilespmem:s0+$0x0]  }
0x7b: {  	v12 =	vsel vm0, v9, v12;
	v13 =	vsel vm0, s30, v13;
	s1 =	sadd.s32 $0x604, s1;
	vm0 =	vgt.f32 v14, v16;
	v24 =	vld [tilespmem:s0+$0xFFFFFFF0]  }
0x7c: {  	vm1 =	vgt.f32 v15, v17;
	v16 =	vsel vm0, v14, v16;
	v10 =	vsel vm0, s1, v10  }
0x7d: {  	v9 =	vld [tilespmem:s0+$0xFFFFFFE0];
	vm2 =	vgt.f32 v19, v20;
	v17 =	vsel vm1, v15, v17;
	v11 =	vsel vm1, s1, v11  }
0x7e: {  	v20 =	vsel vm2, v19, v20;
	vm0 =	vgt.f32 v21, v12;
	v18 =	vsel vm2, s1, v18  }
0x7f: {  	s31 =	simm.s32 $0x8060;
	v12 =	vsel vm0, v21, v12;
	v13 =	vsel vm0, s1, v13;
	vm0 =	vgt.f32 v22, v16  }
0x80: {  	s30 =	simm.s32 $0x800;
	v14 =	vld [tilespmem:s31+$0x10];
	vm1 =	vgt.f32 v23, v17;
	vm2 =	vgt.f32 v24, v20;
	v16 =	vsel vm0, v22, v16  }
0x81: {  	v15 =	vld [tilespmem:s31+$0x0];
	v10 =	vsel vm0, s30, v10;
	v17 =	vsel vm1, v23, v17;
	v11 =	vsel vm1, s30, v11  }
0x82: {  	s0 =	simm.s32 $0x4;
	v19 =	vld [tilespmem:s31+$0xFFFFFFF0];
	s1 =	simm.s32 $0x0;
	vm0 =	vgt.f32 v9, v12;
	v20 =	vsel vm2, v24, v20;
	v18 =	vsel vm2, s30, v18  }
.LBB2_10:
0x83: {  	s14 =	smov.u32 s0;
	s0 =	sadd.s32 $0x4, s0  }
0x84: {  	v12 =	vsel vm0, v9, v12;
	v9 =	vld [tilespmem:s31+$0xFFFFFFE0];
	v13 =	vsel vm0, s30, v13;
	p0 =	slt.u32 s0, $0x1FC  }
.Ltmp4:
0x85: {  	(pc) =	sbr.rel @p0 .LBB2_10-.Ltmp4, $4  }
0x86: {  	s30 =	sadd.s32 $0x804, s1;
	s31 =	sadd.s32 $0x40, s31;
	s1 =	smov.u32 s14;
	vm0 =	vgt.f32 v14, v16  }
0x87: {  	vm1 =	vgt.f32 v15, v17;
	v16 =	vsel vm0, v14, v16;
	v14 =	vld [tilespmem:s31+$0x10];
	v10 =	vsel vm0, s30, v10  }
0x88: {  	vm2 =	vgt.f32 v19, v20;
	v17 =	vsel vm1, v15, v17;
	v15 =	vld [tilespmem:s31+$0x0];
	v11 =	vsel vm1, s30, v11  }
0x89: {  	vm0 =	vgt.f32 v9, v12;
	v20 =	vsel vm2, v19, v20;
	v19 =	vld [tilespmem:s31+$0xFFFFFFF0];
	v18 =	vsel vm2, s30, v18  }
0x8a: {  	v21 =	vld [tilespmem:s31+$0xFFFFFFE0];
	_ =	swait.ge [sflag:s24], $0x2000  }
0x8b: {  	[sflag:s24] =	ssyncset.done $0x0  }
0x8c: {  	s0 =	simm.s32 $0xA020;
	[sflag:s24] =	ssyncadd.s32 $0xFFFFE000  }
0x8d: {  	v22 =	vld [tilespmem:s0+$0x10]  }
0x8e: {  	v9 =	vsel vm0, v9, v12;
	v12 =	vsel vm0, s30, v13;
	v13 =	vld [tilespmem:s0+$0x0]  }
0x8f: {  	vm0 =	vgt.f32 v14, v16;
	v23 =	vld [tilespmem:s0+$0xFFFFFFF0]  }
0x90: {  	s1 =	sadd.s32 $0x804, s1;
	vm1 =	vgt.f32 v15, v17;
	v14 =	vsel vm0, v14, v16;
	vm2 =	vgt.f32 v19, v20  }
0x91: {  	v24 =	vsel vm0, s1, v10;
	v25 =	vsel vm1, v15, v17;
	v15 =	vld [tilespmem:s0+$0xFFFFFFE0];
	v19 =	vsel vm2, v19, v20  }
0x92: {  	v20 =	vsel vm1, s1, v11;
	vm0 =	vgt.f32 v21, v9;
	v26 =	vsel vm2, s1, v18  }
0x93: {  	s30 =	simm.s32 $0xA060;
	v16 =	vsel vm0, v21, v9;
	v17 =	vsel vm0, s1, v12;
	vm0 =	vgt.f32 v22, v14  }
0x94: {  	v18 =	vld [tilespmem:s30+$0xFFFFFFF0];
	s1 =	simm.s32 $0xA00;
	vm1 =	vgt.f32 v13, v25;
	vm2 =	vgt.f32 v23, v19;
	v10 =	vsel vm0, v22, v14  }
0x95: {  	v9 =	vld [tilespmem:s30+$0x10];
	v11 =	vsel vm0, s1, v24;
	v13 =	vsel vm1, v13, v25;
	v14 =	vsel vm1, s1, v20  }
0x96: {  	s31 =	simm.s32 $0x0;
	s0 =	simm.s32 $0x4;
	v12 =	vld [tilespmem:s30+$0x0];
	vm0 =	vgt.f32 v15, v16;
	v19 =	vsel vm2, v23, v19;
	v20 =	vsel vm2, s1, v26  }
.LBB2_12:
0x97: {  	s14 =	smov.u32 s0;
	s0 =	sadd.s32 $0x4, s0  }
0x98: {  	v16 =	vsel vm0, v15, v16;
	v15 =	vld [tilespmem:s30+$0xFFFFFFE0];
	v17 =	vsel vm0, s1, v17;
	p0 =	slt.u32 s0, $0x1FC  }
.Ltmp5:
0x99: {  	(pc) =	sbr.rel @p0 .LBB2_12-.Ltmp5, $4  }
0x9a: {  	s1 =	sadd.s32 $0xA04, s31;
	s30 =	sadd.s32 $0x40, s30;
	s31 =	smov.u32 s14;
	vm0 =	vgt.f32 v9, v10  }
0x9b: {  	vm1 =	vgt.f32 v12, v13;
	v10 =	vsel vm0, v9, v10;
	v9 =	vld [tilespmem:s30+$0x10];
	v11 =	vsel vm0, s1, v11  }
0x9c: {  	vm2 =	vgt.f32 v18, v19;
	v13 =	vsel vm1, v12, v13;
	v12 =	vld [tilespmem:s30+$0x0];
	v14 =	vsel vm1, s1, v14  }
0x9d: {  	vm0 =	vgt.f32 v15, v16;
	v19 =	vsel vm2, v18, v19;
	v18 =	vld [tilespmem:s30+$0xFFFFFFF0];
	v20 =	vsel vm2, s1, v20  }
0x9e: {  	v21 =	vld [tilespmem:s30+$0xFFFFFFE0];
	_ =	sdelay $0x3  }
0x9f: {  	v15 =	vsel vm0, v15, v16  }
0xa0: {  	v57 =	vsel vm0, s1, v17;
	s0 =	sadd.s32 $0xA04, s31;
	vm5 =	vgt.f32 v18, v19;
	vm1 =	vgt.f32 v21, v15  }
0xa1: {  	v58 =	vsel vm5, s0, v20;
	v16 =	vsel vm1, s0, v57  }
0xa2: {  	v18 =	vsel vm5, v18, v19;
	v17 =	vshll.u32 v58, $0x4;
	v16 =	vshll.u32 v16, $0x4  }
0xa3: {  	v15 =	vsel vm1, v21, v15;
	v17 =	vadd.s32 v17, v1;
	v16 =	vadd.s32 v0, v16  }
0xa4: {  	vm6 =	vgt.f32 v12, v13;
	vm1 =	veq.f32 v18, v15;
	vm2 =	vlt.s32 v17, v16  }
0xa5: {  	v14 =	vsel vm6, s0, v14;
	vm7 =	vgt.f32 v18, v15;
	vm1 =	vmand vm1, vm2  }
0xa6: {  	v12 =	vsel vm6, v12, v13;
	v59 =	vshll.u32 v14, $0x4;
	vm8 =	vmor vm7, vm1  }
0xa7: {  	v13 =	vadd.s32 v59, v2;
	v60 =	vsel vm8, v18, v15;
	v61 =	vsel vm8, v17, v16  }
0xa8: {  	vm9 =	vgt.f32 v9, v10;
	vm10 =	veq.f32 v12, v60;
	vm11 =	vlt.s32 v13, v61  }
0xa9: {  	v11 =	vsel vm9, s0, v11;
	vm12 =	vgt.f32 v12, v60;
	vm1 =	vmand vm10, vm11  }
0xaa: {  	v9 =	vsel vm9, v9, v10;
	v10 =	vshll.u32 v11, $0x4;
	vm13 =	vmor vm12, vm1  }
0xab: {  	v10 =	vadd.s32 v10, v3;
	v11 =	vsel vm13, v12, v60;
	v62 =	vsel vm13, v13, v61  }
0xac: {  	vm14 =	veq.f32 v9, v11;
	vm15 =	vlt.s32 v10, v62  }
0xad: {  	vm4 =	vgt.f32 v9, v11;
	vm0 =	vmand vm14, vm15  }
0xae: {  	vm0 =	vmor vm4, vm0  }
0xaf: {  	v10 =	vsel vm0, v10, v62  }
0xb0: {  	v9 =	vsel vm0, v9, v11;
	v10 =	vor.u32 v4, v10  }
0xb1: {  	v11 =	vperm.xlane v9, v5;
	v63 =	vperm.xlane v10, v5;
	_ =	sdelay $0x1  }
0xb2: {  	vm0 =	veq.f32 v11, v9;
	vm5 =	vlt.s32 v63, v10  }
0xb3: {  	vm6 =	vgt.f32 v11, v9;
	vm0 =	vmand vm0, vm5  }
0xb4: {  	vm0 =	vmor vm6, vm0  }
0xb5: {  	v9 =	vsel vm0, v11, v9;
	v10 =	vsel vm0, v63, v10  }
0xb6: {  	v11 =	vperm.xlane v9, v6;
	v12 =	vperm.xlane v10, v6;
	_ =	sdelay $0x1  }
0xb7: {  	vm7 =	veq.f32 v11, v9;
	vm8 =	vlt.s32 v12, v10  }
0xb8: {  	vm9 =	vgt.f32 v11, v9;
	vm0 =	vmand vm7, vm8  }
0xb9: {  	vm0 =	vmor vm9, vm0  }
0xba: {  	v9 =	vsel vm0, v11, v9;
	v10 =	vsel vm0, v12, v10  }
0xbb: {  	v11 =	vperm.xlane v9, v7;
	v12 =	vperm.xlane v10, v7;
	_ =	sdelay $0x1  }
0xbc: {  	vm10 =	veq.f32 v11, v9;
	vm11 =	vlt.s32 v12, v10  }
0xbd: {  	vm12 =	vgt.f32 v11, v9;
	vm0 =	vmand vm10, vm11  }
0xbe: {  	vm0 =	vmor vm12, vm0  }
0xbf: {  	v9 =	vsel vm0, v11, v9;
	v10 =	vsel vm0, v12, v10  }
0xc0: {  	v11 =	vperm.xlane v9, v8;
	v12 =	vperm.xlane v10, v8;
	_ =	sdelay $0x1  }
0xc1: {  	vm13 =	veq.f32 v11, v9;
	vm14 =	vlt.s32 v12, v10  }
0xc2: {  	vm15 =	vgt.f32 v11, v9;
	vm0 =	vmand vm13, vm14  }
0xc3: {  	vm0 =	vmor vm15, vm0  }
0xc4: {  	v9 =	vsel vm0, v11, v9  }
0xc5: {  	v10 =	vsel vm0, v12, v10;
	[tilespmem:$0xC000] =	vst v9  }
0xc6: {  	[tilespmem:$0xC080] =	vst v10  }
0xc7: {  	[hbm4b:s9+s2] =	stream.linear.scatter [tilespmem:s25], [sflag:$0x7], $0x80, $0x38;
	[tilespmem:$0xC100] =	vst v63  }
0xc8: {  	s29 =	sadd.s32 $0x1, s29;
	_ =	swait.ge [sflag:s26], $0x80  }
0xc9: {  	p0 =	sne.s32 s29, s11;
	[sflag:s26] =	ssyncset.done $0x0  }
.Ltmp6:
0xca: {  	[sflag:s26] =	ssyncadd.s32 $0xFFFFFF80;
	(pc) =	sbr.rel @p0 .LBB2_1-.Ltmp6, $4  }
0xcb: {  	[hbm4b:s10+s2] =	stream.linear.scatter [tilespmem:s28], [sflag:$0x7], $0x80, $0x38;
	[tilespmem:$0xC100] =	vst v63  }
0xcc: {  	_ =	swait.ge [sflag:s26], $0x80  }
0xcd: {  	[sflag:s26] =	ssyncset.done $0x0  }
0xce: {  	[sflag:s26] =	ssyncadd.s32 $0xFFFFFF80  }
0xcf: {  	_ =	sfence.sel $0x180000  }
0xd0: {  	[bflag:$0x0] =	sbarrier.arrive $0xFFFF  }
0xd1: {  	_ =	strace $0x90000047  }
0xd2: {  	s0 =	stileid.u32;
	[bflag:$0x2] =	sbarrier.arrive $0xFFFF  }
0xd3: {  	p0 =	sne.s32 s0, $0x0;
	s0 =	rddreg [dreg:$0x2]  }
0xd4: {  	s0 =	sadd.s32 @!p0 $0x100000, s0  }
0xd5: {  	[sflag:s0] =	ssyncadd.tile.s32 @!p0 $0x1;
	_ =	shalt  }
.Lfunc_end2:
_tile_overlayer_lowered:
.L_overlay_start_2:
0xd6: {  	(tag) =	ssettag $0x2  }
0xd7: {  	s0 =	rddreg [dreg:$0x0];
	s2 =	stileid.u32  }
0xd8: {  	s1 =	rddreg [dreg:$0x1];
	p0 =	sne.s32 s2, $0x0  }
0xd9: {  	s3 =	rddreg [dreg:$0x2];
	[bflag:$0x3] =	sbarrier.arrive $0xFFFF;
	s2 =	simm.s32 @!p0 $0x1C07  }
0xda: {  	[timem:s3], [sflag:s2] =	dma.local @!p0 [hbm:s0], s1  }
0xdb: {  	s0 =	simm.s32 @!p0 $0x7  }
0xdc: {  	_ =	swait.ge @!p0 [sflag:s0], s1  }
0xdd: {  	s1 =	ssub.s32 @!p0 $0x0, s1;
	[sflag:s0] =	ssyncset.done @!p0 $0x0  }
0xde: {  	[sflag:s0] =	ssyncadd.s32 @!p0 s1  }
0xdf: {  	[bflag:$0x3] =	sbarrier.arrive $0xFFFF  }
0xe0: {  	_ =	shalt  }

</sc_bundles>
